<compile_context>
chip_gen: v7x
topology: tpu7x:2x2x1
jax: 0.10.2.dev20260603
libtpu: 0.0.44.dev20260713+nightly
codegen_flags: <defaults>
</compile_context>

<pallas_src>
import functools

import jax
import jax.numpy as jnp
from jax import lax
from jax.experimental import pallas as pl
from jax.experimental.pallas import tpu as pltpu
from jax.experimental.pallas import tpu_sc as plsc

NUM_CLASS = 1000
EMBED_DIM = 128
BATCH = 16384

_info = plsc.get_sparse_core_info()
_NC, _NS = _info.num_cores, _info.num_subcores
_NW = _NC * _NS
_B_PER_W = BATCH // _NW

_STAGE_ROWS = 64

_CHUNKS = (32, 32, 64, 64, 96, 112, 112)
_OFFS = tuple(sum(_CHUNKS[:i]) for i in range(len(_CHUNKS)))
_NBUF = len(_CHUNKS)

_mesh = plsc.VectorSubcoreMesh(core_axis_name="c", subcore_axis_name="s")


@functools.partial(
    pl.kernel,
    mesh=_mesh,
    out_type=jax.ShapeDtypeStruct((BATCH, EMBED_DIM), jnp.float32),
    scratch_types=[
        pltpu.VMEM((_B_PER_W,), jnp.int32),
        pltpu.VMEM((_B_PER_W, EMBED_DIM), jnp.float32),
        pltpu.VMEM_SHARED((NUM_CLASS, EMBED_DIM), jnp.float32),
        pltpu.SemaphoreType.DMA((_NBUF,)),
        pltpu.SemaphoreType.DMA((_NBUF,)),
        pltpu.SemaphoreType.DMA,
    ],
)
def _gather_kernel(idx_hbm, table_hbm, out_hbm, idx_v, rows_v, tbl_sh, gsem, ssem, isem):
    sid = lax.axis_index("s")
    wid = sid * _NC + lax.axis_index("c")
    base = wid * _B_PER_W
    icopy = pltpu.async_copy(idx_hbm.at[pl.ds(base, _B_PER_W)], idx_v, isem)
    n_full = NUM_CLASS // _STAGE_ROWS
    rem = NUM_CLASS - n_full * _STAGE_ROWS

    @pl.when(sid < n_full)
    def _():
        r0 = pl.multiple_of(sid * _STAGE_ROWS, _STAGE_ROWS)
        pltpu.sync_copy(
            table_hbm.at[pl.ds(r0, _STAGE_ROWS)],
            tbl_sh.at[pl.ds(r0, _STAGE_ROWS)],
        )

    @pl.when(sid == n_full)
    def _():
        r0 = n_full * _STAGE_ROWS
        pltpu.sync_copy(
            table_hbm.at[pl.ds(r0, rem)],
            tbl_sh.at[pl.ds(r0, rem)],
        )
    icopy.wait()
    gathers = [
        pltpu.async_copy(
            table_hbm.at[idx_v.at[pl.ds(0, _CHUNKS[0])]],
            rows_v.at[pl.ds(0, _CHUNKS[0])],
            gsem.at[0],
        )
    ]
    plsc.subcore_barrier()
    gathers += [
        pltpu.async_copy(
            tbl_sh.at[idx_v.at[pl.ds(_OFFS[b], _CHUNKS[b])]],
            rows_v.at[pl.ds(_OFFS[b], _CHUNKS[b])],
            gsem.at[b],
        )
        for b in range(1, _NBUF)
    ]
    scatters = []
    for b in range(_NBUF):
        gathers[b].wait()
        scatters.append(
            pltpu.async_copy(
                rows_v.at[pl.ds(_OFFS[b], _CHUNKS[b])],
                out_hbm.at[pl.ds(base + _OFFS[b], _CHUNKS[b])],
                ssem.at[b],
            )
        )
    for s in scatters:
        s.wait()


def kernel(labels, embedding_table):
    labels = labels.astype(jnp.int32)
    out = _gather_kernel(labels, embedding_table)
    return out[:, None, :]

# --- scband reference (transcript-rebuilt; emitter-appended) ---
"""Pipeline reference for scband-class-embedder-36515811951174 (READ-ONLY COPY).

The authoritative reference and input builder live on the scoring server;
editing this copy changes nothing except your own understanding.
"""

import jax, jax.numpy as jnp
import numpy as np

NUM_CLASS = 1000
EMBED_DIM = 128
BATCH = 16384

def setup_inputs(seed: int = 0) -> dict:
    key = jax.random.key(seed)
    k1, k2 = jax.random.split(key)
    labels = jax.random.randint(k1, (BATCH,), 0, NUM_CLASS, dtype=jnp.int64 if jax.config.jax_enable_x64 else jnp.int32)
    # nn.Embedding default init: N(0, 1)
    embedding_table = jax.random.normal(k2, (NUM_CLASS, EMBED_DIM), dtype=jnp.float32)
    return {"labels": labels, "embedding_table": embedding_table}

def reference(labels, embedding_table):
    # dropout_prob == 0.0 -> no cfg row, no token_drop; plain lookup + unsqueeze(1)
    embeddings = jnp.take(embedding_table, labels, axis=0)  # [B, D]
    return embeddings[:, None, :]  # [B, 1, D]

if __name__ == "__main__":
    import jax
    _d = setup_inputs()
    print(jax.jit(kernel)(*tuple(_d.values())))

</pallas_src>

<mosaic_0001>
#map = affine_map<(d0, d1) -> (0)>
#map1 = affine_map<(d0, d1) -> (0, 0)>
module attributes {stable_mosaic.version = 14 : i64} {
  func.func @_gather_kernel(%arg0: i32, %arg1: i32, %arg2: memref<16384xi32, #tpu.memory_space<hbm>>, %arg3: memref<1000x128xf32, #tpu.memory_space<hbm>>, %arg4: memref<16384x128xf32, #tpu.memory_space<hbm>>, %arg5: memref<512xi32, #tpu.memory_space<vmem>>, %arg6: memref<512x128xf32, #tpu.memory_space<vmem>>, %arg7: memref<1000x128xf32, #tpu.memory_space<vmem_shared>>, %arg8: memref<7x!tpu.dma_semaphore, #tpu.memory_space<semaphore_mem>>, %arg9: memref<7x!tpu.dma_semaphore, #tpu.memory_space<semaphore_mem>>, %arg10: memref<!tpu.dma_semaphore, #tpu.memory_space<semaphore_mem>>) attributes {dimension_semantics = [#tpu.dimension_semantics<core_parallel>, #tpu.dimension_semantics<subcore_parallel>], iteration_bounds = array<i64: 2, 16>, scalar_prefetch = 0 : i64, scratch_operands = 6 : i64, tpu.core_type = #tpu.core_type<sc_vector_subcore>, window_params = [{transform_indices = #map}, {transform_indices = #map1}, {transform_indices = #map1}]} {
    %mul3A = arith.constant 2 : i32
    %mul3A_0 = arith.muli %arg1, %mul3A : i32
    %add3A = arith.addi %mul3A_0, %arg0 : i32
    %mul3A_1 = arith.constant 512 : i32
    %mul3A_2 = arith.muli %add3A, %mul3A_1 : i32
    %dma_start3A = tpu.memref_slice %arg2[%mul3A_2] : memref<16384xi32, #tpu.memory_space<hbm>> -> memref<512xi32, #tpu.memory_space<hbm>>
    %dma_start3A_3 = tpu.memref_slice %arg2[%mul3A_2] : memref<16384xi32, #tpu.memory_space<hbm>> -> memref<512xi32, #tpu.memory_space<hbm>>
    tpu.enqueue_dma source(%dma_start3A_3 : memref<512xi32, #tpu.memory_space<hbm>>) target(%arg5 : memref<512xi32, #tpu.memory_space<vmem>>) target_semaphore(%arg10 : memref<!tpu.dma_semaphore, #tpu.memory_space<semaphore_mem>>)
    %lt3A = arith.constant 15 : i32
    %lt3A_4 = arith.cmpi slt, %arg1, %lt3A : i32
    %convert_element_type3A = arith.extui %lt3A_4 : i1 to i32
    %cond3A = arith.constant 0 : i32
    %cond3A_5 = arith.cmpi ne, %convert_element_type3A, %cond3A : i32
    scf.if %cond3A_5 {
      %mul3A_361 = arith.constant 64 : i32
      %mul3A_362 = arith.muli %arg1, %mul3A_361 : i32
      %multiple_of3A = tpu.assume_multiple %mul3A_362, 64 : i32
      "tpu.region"() ({
        %run_scoped3A = tpu.sem_alloc : memref<!tpu.dma_semaphore, #tpu.memory_space<semaphore_mem>>
        %dma_start3A_363 = arith.constant 0 : i32
        %dma_start3A_364 = tpu.memref_slice %arg7[%multiple_of3A, %dma_start3A_363] : memref<1000x128xf32, #tpu.memory_space<vmem_shared>> -> memref<64x128xf32, #tpu.memory_space<vmem_shared>>
        %dma_start3A_365 = arith.constant 0 : i32
        %dma_start3A_366 = tpu.memref_slice %arg3[%multiple_of3A, %dma_start3A_365] : memref<1000x128xf32, #tpu.memory_space<hbm>> -> memref<64x128xf32, #tpu.memory_space<hbm>>
        tpu.enqueue_dma source(%dma_start3A_366 : memref<64x128xf32, #tpu.memory_space<hbm>>) target(%dma_start3A_364 : memref<64x128xf32, #tpu.memory_space<vmem_shared>>) target_semaphore(%run_scoped3A : memref<!tpu.dma_semaphore, #tpu.memory_space<semaphore_mem>>)
        %dma_wait3A_367 = arith.constant 0 : i32
        %dma_wait3A_368 = tpu.memref_slice %arg7[%multiple_of3A, %dma_wait3A_367] : memref<1000x128xf32, #tpu.memory_space<vmem_shared>> -> memref<64x128xf32, #tpu.memory_space<vmem_shared>>
        %dma_wait3A_369 = arith.constant 0 : i32
        %dma_wait3A_370 = tpu.memref_slice %arg3[%multiple_of3A, %dma_wait3A_369] : memref<1000x128xf32, #tpu.memory_space<hbm>> -> memref<64x128xf32, #tpu.memory_space<hbm>>
        tpu.wait_dma2 semaphore(%run_scoped3A : memref<!tpu.dma_semaphore, #tpu.memory_space<semaphore_mem>>) src(%dma_wait3A_370 : memref<64x128xf32, #tpu.memory_space<hbm>>) dst(%dma_wait3A_368 : memref<64x128xf32, #tpu.memory_space<vmem_shared>>)
        tpu.yield
      }) : () -> ()
    } else {
    }
    %eq3A = arith.constant 15 : i32
    %eq3A_6 = arith.cmpi eq, %arg1, %eq3A : i32
    %convert_element_type3A_7 = arith.extui %eq3A_6 : i1 to i32
    %cond3A_8 = arith.constant 0 : i32
    %cond3A_9 = arith.cmpi ne, %convert_element_type3A_7, %cond3A_8 : i32
    scf.if %cond3A_9 {
      "tpu.region"() ({
        %run_scoped3A = tpu.sem_alloc : memref<!tpu.dma_semaphore, #tpu.memory_space<semaphore_mem>>
        %dma_start3A_361 = arith.constant 960 : i32
        %dma_start3A_362 = arith.constant 0 : i32
        %dma_start3A_363 = tpu.memref_slice %arg7[%dma_start3A_361, %dma_start3A_362] : memref<1000x128xf32, #tpu.memory_space<vmem_shared>> -> memref<40x128xf32, #tpu.memory_space<vmem_shared>>
        %dma_start3A_364 = arith.constant 960 : i32
        %dma_start3A_365 = arith.constant 0 : i32
        %dma_start3A_366 = tpu.memref_slice %arg3[%dma_start3A_364, %dma_start3A_365] : memref<1000x128xf32, #tpu.memory_space<hbm>> -> memref<40x128xf32, #tpu.memory_space<hbm>>
        tpu.enqueue_dma source(%dma_start3A_366 : memref<40x128xf32, #tpu.memory_space<hbm>>) target(%dma_start3A_363 : memref<40x128xf32, #tpu.memory_space<vmem_shared>>) target_semaphore(%run_scoped3A : memref<!tpu.dma_semaphore, #tpu.memory_space<semaphore_mem>>)
        %dma_wait3A_367 = arith.constant 960 : i32
        %dma_wait3A_368 = arith.constant 0 : i32
        %dma_wait3A_369 = tpu.memref_slice %arg7[%dma_wait3A_367, %dma_wait3A_368] : memref<1000x128xf32, #tpu.memory_space<vmem_shared>> -> memref<40x128xf32, #tpu.memory_space<vmem_shared>>
        %dma_wait3A_370 = arith.constant 960 : i32
        %dma_wait3A_371 = arith.constant 0 : i32
        %dma_wait3A_372 = tpu.memref_slice %arg3[%dma_wait3A_370, %dma_wait3A_371] : memref<1000x128xf32, #tpu.memory_space<hbm>> -> memref<40x128xf32, #tpu.memory_space<hbm>>
        tpu.wait_dma2 semaphore(%run_scoped3A : memref<!tpu.dma_semaphore, #tpu.memory_space<semaphore_mem>>) src(%dma_wait3A_372 : memref<40x128xf32, #tpu.memory_space<hbm>>) dst(%dma_wait3A_369 : memref<40x128xf32, #tpu.memory_space<vmem_shared>>)
        tpu.yield
      }) : () -> ()
    } else {
    }
    %dma_wait3A = tpu.memref_slice %arg2[%mul3A_2] : memref<16384xi32, #tpu.memory_space<hbm>> -> memref<512xi32, #tpu.memory_space<hbm>>
    %dma_wait3A_10 = tpu.memref_slice %arg2[%mul3A_2] : memref<16384xi32, #tpu.memory_space<hbm>> -> memref<512xi32, #tpu.memory_space<hbm>>
    tpu.wait_dma2 semaphore(%arg10 : memref<!tpu.dma_semaphore, #tpu.memory_space<semaphore_mem>>) src(%dma_wait3A_10 : memref<512xi32, #tpu.memory_space<hbm>>) dst(%arg5 : memref<512xi32, #tpu.memory_space<vmem>>)
    %dma_start3A_11 = arith.constant 0 : i32
    %dma_start3A_12 = arith.constant 0 : i32
    %dma_start3A_13 = arith.constant 0 : i32
    %dma_start3A_14 = tpu.memref_slice %arg6[%dma_start3A_12, %dma_start3A_13] : memref<512x128xf32, #tpu.memory_space<vmem>> -> memref<32x128xf32, #tpu.memory_space<vmem>>
    %dma_start3A_15 = arith.constant 0 : i32
    %dma_start3A_16 = tpu.memref_slice %arg5[%dma_start3A_15] : memref<512xi32, #tpu.memory_space<vmem>> -> memref<32xi32, #tpu.memory_space<vmem>>
    %dma_start3A_17 = arith.constant 0 : i32
    %dma_start3A_18 = arith.constant 0 : i32
    %dma_start3A_19 = tpu.memref_slice %arg3[%dma_start3A_17, %dma_start3A_18] : memref<1000x128xf32, #tpu.memory_space<hbm>> -> memref<1000x128xf32, #tpu.memory_space<hbm>>
    %dma_start3A_20 = tpu.memref_slice %arg8[%dma_start3A_11] : memref<7x!tpu.dma_semaphore, #tpu.memory_space<semaphore_mem>> -> memref<1x!tpu.dma_semaphore, #tpu.memory_space<semaphore_mem>>
    %dma_start3A_21 = tpu.memref_squeeze %dma_start3A_20 : memref<1x!tpu.dma_semaphore, #tpu.memory_space<semaphore_mem>> -> memref<!tpu.dma_semaphore, #tpu.memory_space<semaphore_mem>>
    tpu.enqueue_indirect_dma source(%dma_start3A_19 : memref<1000x128xf32, #tpu.memory_space<hbm>>) target(%dma_start3A_14 : memref<32x128xf32, #tpu.memory_space<vmem>>) offsets(%dma_start3A_16 : memref<32xi32, #tpu.memory_space<vmem>>) semaphore(%dma_start3A_21 : memref<!tpu.dma_semaphore, #tpu.memory_space<semaphore_mem>>)
    %barrier3A = arith.constant 0 : index
    tpu.barrier barrier_id(%barrier3A)
    %dma_start3A_22 = arith.constant 1 : i32
    %dma_start3A_23 = arith.constant 32 : i32
    %dma_start3A_24 = arith.constant 0 : i32
    %dma_start3A_25 = tpu.memref_slice %arg6[%dma_start3A_23, %dma_start3A_24] : memref<512x128xf32, #tpu.memory_space<vmem>> -> memref<32x128xf32, #tpu.memory_space<vmem>>
    %dma_start3A_26 = arith.constant 32 : i32
    %dma_start3A_27 = tpu.memref_slice %arg5[%dma_start3A_26] : memref<512xi32, #tpu.memory_space<vmem>> -> memref<32xi32, #tpu.memory_space<vmem>>
    %dma_start3A_28 = arith.constant 0 : i32
    %dma_start3A_29 = arith.constant 0 : i32
    %dma_start3A_30 = tpu.memref_slice %arg7[%dma_start3A_28, %dma_start3A_29] : memref<1000x128xf32, #tpu.memory_space<vmem_shared>> -> memref<1000x128xf32, #tpu.memory_space<vmem_shared>>
    %dma_start3A_31 = tpu.memref_slice %arg8[%dma_start3A_22] : memref<7x!tpu.dma_semaphore, #tpu.memory_space<semaphore_mem>> -> memref<1x!tpu.dma_semaphore, #tpu.memory_space<semaphore_mem>>
    %dma_start3A_32 = tpu.memref_squeeze %dma_start3A_31 : memref<1x!tpu.dma_semaphore, #tpu.memory_space<semaphore_mem>> -> memref<!tpu.dma_semaphore, #tpu.memory_space<semaphore_mem>>
    tpu.enqueue_indirect_dma source(%dma_start3A_30 : memref<1000x128xf32, #tpu.memory_space<vmem_shared>>) target(%dma_start3A_25 : memref<32x128xf32, #tpu.memory_space<vmem>>) offsets(%dma_start3A_27 : memref<32xi32, #tpu.memory_space<vmem>>) semaphore(%dma_start3A_32 : memref<!tpu.dma_semaphore, #tpu.memory_space<semaphore_mem>>)
    %dma_start3A_33 = arith.constant 2 : i32
    %dma_start3A_34 = arith.constant 64 : i32
    %dma_start3A_35 = arith.constant 0 : i32
    %dma_start3A_36 = tpu.memref_slice %arg6[%dma_start3A_34, %dma_start3A_35] : memref<512x128xf32, #tpu.memory_space<vmem>> -> memref<64x128xf32, #tpu.memory_space<vmem>>
    %dma_start3A_37 = arith.constant 64 : i32
    %dma_start3A_38 = tpu.memref_slice %arg5[%dma_start3A_37] : memref<512xi32, #tpu.memory_space<vmem>> -> memref<64xi32, #tpu.memory_space<vmem>>
    %dma_start3A_39 = arith.constant 0 : i32
    %dma_start3A_40 = arith.constant 0 : i32
    %dma_start3A_41 = tpu.memref_slice %arg7[%dma_start3A_39, %dma_start3A_40] : memref<1000x128xf32, #tpu.memory_space<vmem_shared>> -> memref<1000x128xf32, #tpu.memory_space<vmem_shared>>
    %dma_start3A_42 = tpu.memref_slice %arg8[%dma_start3A_33] : memref<7x!tpu.dma_semaphore, #tpu.memory_space<semaphore_mem>> -> memref<1x!tpu.dma_semaphore, #tpu.memory_space<semaphore_mem>>
    %dma_start3A_43 = tpu.memref_squeeze %dma_start3A_42 : memref<1x!tpu.dma_semaphore, #tpu.memory_space<semaphore_mem>> -> memref<!tpu.dma_semaphore, #tpu.memory_space<semaphore_mem>>
    tpu.enqueue_indirect_dma source(%dma_start3A_41 : memref<1000x128xf32, #tpu.memory_space<vmem_shared>>) target(%dma_start3A_36 : memref<64x128xf32, #tpu.memory_space<vmem>>) offsets(%dma_start3A_38 : memref<64xi32, #tpu.memory_space<vmem>>) semaphore(%dma_start3A_43 : memref<!tpu.dma_semaphore, #tpu.memory_space<semaphore_mem>>)
    %dma_start3A_44 = arith.constant 3 : i32
    %dma_start3A_45 = arith.constant 128 : i32
    %dma_start3A_46 = arith.constant 0 : i32
    %dma_start3A_47 = tpu.memref_slice %arg6[%dma_start3A_45, %dma_start3A_46] : memref<512x128xf32, #tpu.memory_space<vmem>> -> memref<64x128xf32, #tpu.memory_space<vmem>>
    %dma_start3A_48 = arith.constant 128 : i32
    %dma_start3A_49 = tpu.memref_slice %arg5[%dma_start3A_48] : memref<512xi32, #tpu.memory_space<vmem>> -> memref<64xi32, #tpu.memory_space<vmem>>
    %dma_start3A_50 = arith.constant 0 : i32
    %dma_start3A_51 = arith.constant 0 : i32
    %dma_start3A_52 = tpu.memref_slice %arg7[%dma_start3A_50, %dma_start3A_51] : memref<1000x128xf32, #tpu.memory_space<vmem_shared>> -> memref<1000x128xf32, #tpu.memory_space<vmem_shared>>
    %dma_start3A_53 = tpu.memref_slice %arg8[%dma_start3A_44] : memref<7x!tpu.dma_semaphore, #tpu.memory_space<semaphore_mem>> -> memref<1x!tpu.dma_semaphore, #tpu.memory_space<semaphore_mem>>
    %dma_start3A_54 = tpu.memref_squeeze %dma_start3A_53 : memref<1x!tpu.dma_semaphore, #tpu.memory_space<semaphore_mem>> -> memref<!tpu.dma_semaphore, #tpu.memory_space<semaphore_mem>>
    tpu.enqueue_indirect_dma source(%dma_start3A_52 : memref<1000x128xf32, #tpu.memory_space<vmem_shared>>) target(%dma_start3A_47 : memref<64x128xf32, #tpu.memory_space<vmem>>) offsets(%dma_start3A_49 : memref<64xi32, #tpu.memory_space<vmem>>) semaphore(%dma_start3A_54 : memref<!tpu.dma_semaphore, #tpu.memory_space<semaphore_mem>>)
    %dma_start3A_55 = arith.constant 4 : i32
    %dma_start3A_56 = arith.constant 192 : i32
    %dma_start3A_57 = arith.constant 0 : i32
    %dma_start3A_58 = tpu.memref_slice %arg6[%dma_start3A_56, %dma_start3A_57] : memref<512x128xf32, #tpu.memory_space<vmem>> -> memref<96x128xf32, #tpu.memory_space<vmem>>
    %dma_start3A_59 = arith.constant 192 : i32
    %dma_start3A_60 = tpu.memref_slice %arg5[%dma_start3A_59] : memref<512xi32, #tpu.memory_space<vmem>> -> memref<96xi32, #tpu.memory_space<vmem>>
    %dma_start3A_61 = arith.constant 0 : i32
    %dma_start3A_62 = arith.constant 0 : i32
    %dma_start3A_63 = tpu.memref_slice %arg7[%dma_start3A_61, %dma_start3A_62] : memref<1000x128xf32, #tpu.memory_space<vmem_shared>> -> memref<1000x128xf32, #tpu.memory_space<vmem_shared>>
    %dma_start3A_64 = tpu.memref_slice %arg8[%dma_start3A_55] : memref<7x!tpu.dma_semaphore, #tpu.memory_space<semaphore_mem>> -> memref<1x!tpu.dma_semaphore, #tpu.memory_space<semaphore_mem>>
    %dma_start3A_65 = tpu.memref_squeeze %dma_start3A_64 : memref<1x!tpu.dma_semaphore, #tpu.memory_space<semaphore_mem>> -> memref<!tpu.dma_semaphore, #tpu.memory_space<semaphore_mem>>
    tpu.enqueue_indirect_dma source(%dma_start3A_63 : memref<1000x128xf32, #tpu.memory_space<vmem_shared>>) target(%dma_start3A_58 : memref<96x128xf32, #tpu.memory_space<vmem>>) offsets(%dma_start3A_60 : memref<96xi32, #tpu.memory_space<vmem>>) semaphore(%dma_start3A_65 : memref<!tpu.dma_semaphore, #tpu.memory_space<semaphore_mem>>)
    %dma_start3A_66 = arith.constant 5 : i32
    %dma_start3A_67 = arith.constant 288 : i32
    %dma_start3A_68 = arith.constant 0 : i32
    %dma_start3A_69 = tpu.memref_slice %arg6[%dma_start3A_67, %dma_start3A_68] : memref<512x128xf32, #tpu.memory_space<vmem>> -> memref<112x128xf32, #tpu.memory_space<vmem>>
    %dma_start3A_70 = arith.constant 288 : i32
    %dma_start3A_71 = tpu.memref_slice %arg5[%dma_start3A_70] : memref<512xi32, #tpu.memory_space<vmem>> -> memref<112xi32, #tpu.memory_space<vmem>>
    %dma_start3A_72 = arith.constant 0 : i32
    %dma_start3A_73 = arith.constant 0 : i32
    %dma_start3A_74 = tpu.memref_slice %arg7[%dma_start3A_72, %dma_start3A_73] : memref<1000x128xf32, #tpu.memory_space<vmem_shared>> -> memref<1000x128xf32, #tpu.memory_space<vmem_shared>>
    %dma_start3A_75 = tpu.memref_slice %arg8[%dma_start3A_66] : memref<7x!tpu.dma_semaphore, #tpu.memory_space<semaphore_mem>> -> memref<1x!tpu.dma_semaphore, #tpu.memory_space<semaphore_mem>>
    %dma_start3A_76 = tpu.memref_squeeze %dma_start3A_75 : memref<1x!tpu.dma_semaphore, #tpu.memory_space<semaphore_mem>> -> memref<!tpu.dma_semaphore, #tpu.memory_space<semaphore_mem>>
    tpu.enqueue_indirect_dma source(%dma_start3A_74 : memref<1000x128xf32, #tpu.memory_space<vmem_shared>>) target(%dma_start3A_69 : memref<112x128xf32, #tpu.memory_space<vmem>>) offsets(%dma_start3A_71 : memref<112xi32, #tpu.memory_space<vmem>>) semaphore(%dma_start3A_76 : memref<!tpu.dma_semaphore, #tpu.memory_space<semaphore_mem>>)
    %dma_start3A_77 = arith.constant 6 : i32
    %dma_start3A_78 = arith.constant 400 : i32
    %dma_start3A_79 = arith.constant 0 : i32
    %dma_start3A_80 = tpu.memref_slice %arg6[%dma_start3A_78, %dma_start3A_79] : memref<512x128xf32, #tpu.memory_space<vmem>> -> memref<112x128xf32, #tpu.memory_space<vmem>>
    %dma_start3A_81 = arith.constant 400 : i32
    %dma_start3A_82 = tpu.memref_slice %arg5[%dma_start3A_81] : memref<512xi32, #tpu.memory_space<vmem>> -> memref<112xi32, #tpu.memory_space<vmem>>
    %dma_start3A_83 = arith.constant 0 : i32
    %dma_start3A_84 = arith.constant 0 : i32
    %dma_start3A_85 = tpu.memref_slice %arg7[%dma_start3A_83, %dma_start3A_84] : memref<1000x128xf32, #tpu.memory_space<vmem_shared>> -> memref<1000x128xf32, #tpu.memory_space<vmem_shared>>
    %dma_start3A_86 = tpu.memref_slice %arg8[%dma_start3A_77] : memref<7x!tpu.dma_semaphore, #tpu.memory_space<semaphore_mem>> -> memref<1x!tpu.dma_semaphore, #tpu.memory_space<semaphore_mem>>
    %dma_start3A_87 = tpu.memref_squeeze %dma_start3A_86 : memref<1x!tpu.dma_semaphore, #tpu.memory_space<semaphore_mem>> -> memref<!tpu.dma_semaphore, #tpu.memory_space<semaphore_mem>>
    tpu.enqueue_indirect_dma source(%dma_start3A_85 : memref<1000x128xf32, #tpu.memory_space<vmem_shared>>) target(%dma_start3A_80 : memref<112x128xf32, #tpu.memory_space<vmem>>) offsets(%dma_start3A_82 : memref<112xi32, #tpu.memory_space<vmem>>) semaphore(%dma_start3A_87 : memref<!tpu.dma_semaphore, #tpu.memory_space<semaphore_mem>>)
    %dma_wait3A_88 = arith.constant 0 : i32
    %dma_wait3A_89 = arith.constant 0 : i32
    %dma_wait3A_90 = arith.constant 0 : i32
    %dma_wait3A_91 = tpu.memref_slice %arg6[%dma_wait3A_89, %dma_wait3A_90] : memref<512x128xf32, #tpu.memory_space<vmem>> -> memref<32x128xf32, #tpu.memory_space<vmem>>
    %dma_wait3A_92 = arith.constant 0 : i32
    %dma_wait3A_93 = tpu.memref_slice %arg5[%dma_wait3A_92] : memref<512xi32, #tpu.memory_space<vmem>> -> memref<32xi32, #tpu.memory_space<vmem>>
    %dma_wait3A_94 = arith.constant 0 : i32
    %dma_wait3A_95 = arith.constant 0 : i32
    %dma_wait3A_96 = tpu.memref_slice %arg3[%dma_wait3A_94, %dma_wait3A_95] : memref<1000x128xf32, #tpu.memory_space<hbm>> -> memref<1000x128xf32, #tpu.memory_space<hbm>>
    %dma_wait3A_97 = tpu.memref_slice %arg8[%dma_wait3A_88] : memref<7x!tpu.dma_semaphore, #tpu.memory_space<semaphore_mem>> -> memref<1x!tpu.dma_semaphore, #tpu.memory_space<semaphore_mem>>
    %dma_wait3A_98 = tpu.memref_squeeze %dma_wait3A_97 : memref<1x!tpu.dma_semaphore, #tpu.memory_space<semaphore_mem>> -> memref<!tpu.dma_semaphore, #tpu.memory_space<semaphore_mem>>
    tpu.wait_indirect_dma semaphore(%dma_wait3A_98 : memref<!tpu.dma_semaphore, #tpu.memory_space<semaphore_mem>>) src(%dma_wait3A_96 : memref<1000x128xf32, #tpu.memory_space<hbm>>) dst(%dma_wait3A_91 : memref<32x128xf32, #tpu.memory_space<vmem>>)
    %add3A_99 = arith.constant 0 : i32
    %add3A_100 = arith.addi %mul3A_2, %add3A_99 : i32
    %dma_start3A_101 = arith.constant 0 : i32
    %dma_start3A_102 = arith.constant 0 : i32
    %dma_start3A_103 = arith.constant 0 : i32
    %dma_start3A_104 = tpu.memref_slice %arg6[%dma_start3A_102, %dma_start3A_103] : memref<512x128xf32, #tpu.memory_space<vmem>> -> memref<32x128xf32, #tpu.memory_space<vmem>>
    %dma_start3A_105 = arith.constant 0 : i32
    %dma_start3A_106 = tpu.memref_slice %arg4[%add3A_100, %dma_start3A_105] : memref<16384x128xf32, #tpu.memory_space<hbm>> -> memref<32x128xf32, #tpu.memory_space<hbm>>
    %dma_start3A_107 = tpu.memref_slice %arg9[%dma_start3A_101] : memref<7x!tpu.dma_semaphore, #tpu.memory_space<semaphore_mem>> -> memref<1x!tpu.dma_semaphore, #tpu.memory_space<semaphore_mem>>
    %dma_start3A_108 = tpu.memref_squeeze %dma_start3A_107 : memref<1x!tpu.dma_semaphore, #tpu.memory_space<semaphore_mem>> -> memref<!tpu.dma_semaphore, #tpu.memory_space<semaphore_mem>>
    %dma_start3A_109 = arith.constant 0 : i32
    %dma_start3A_110 = tpu.memref_slice %arg4[%add3A_100, %dma_start3A_109] : memref<16384x128xf32, #tpu.memory_space<hbm>> -> memref<32x128xf32, #tpu.memory_space<hbm>>
    %dma_start3A_111 = arith.constant 0 : i32
    %dma_start3A_112 = arith.constant 0 : i32
    %dma_start3A_113 = tpu.memref_slice %arg6[%dma_start3A_111, %dma_start3A_112] : memref<512x128xf32, #tpu.memory_space<vmem>> -> memref<32x128xf32, #tpu.memory_space<vmem>>
    tpu.enqueue_dma source(%dma_start3A_113 : memref<32x128xf32, #tpu.memory_space<vmem>>) target(%dma_start3A_110 : memref<32x128xf32, #tpu.memory_space<hbm>>) target_semaphore(%dma_start3A_108 : memref<!tpu.dma_semaphore, #tpu.memory_space<semaphore_mem>>)
    %dma_wait3A_114 = arith.constant 1 : i32
    %dma_wait3A_115 = arith.constant 32 : i32
    %dma_wait3A_116 = arith.constant 0 : i32
    %dma_wait3A_117 = tpu.memref_slice %arg6[%dma_wait3A_115, %dma_wait3A_116] : memref<512x128xf32, #tpu.memory_space<vmem>> -> memref<32x128xf32, #tpu.memory_space<vmem>>
    %dma_wait3A_118 = arith.constant 32 : i32
    %dma_wait3A_119 = tpu.memref_slice %arg5[%dma_wait3A_118] : memref<512xi32, #tpu.memory_space<vmem>> -> memref<32xi32, #tpu.memory_space<vmem>>
    %dma_wait3A_120 = arith.constant 0 : i32
    %dma_wait3A_121 = arith.constant 0 : i32
    %dma_wait3A_122 = tpu.memref_slice %arg7[%dma_wait3A_120, %dma_wait3A_121] : memref<1000x128xf32, #tpu.memory_space<vmem_shared>> -> memref<1000x128xf32, #tpu.memory_space<vmem_shared>>
    %dma_wait3A_123 = tpu.memref_slice %arg8[%dma_wait3A_114] : memref<7x!tpu.dma_semaphore, #tpu.memory_space<semaphore_mem>> -> memref<1x!tpu.dma_semaphore, #tpu.memory_space<semaphore_mem>>
    %dma_wait3A_124 = tpu.memref_squeeze %dma_wait3A_123 : memref<1x!tpu.dma_semaphore, #tpu.memory_space<semaphore_mem>> -> memref<!tpu.dma_semaphore, #tpu.memory_space<semaphore_mem>>
    tpu.wait_indirect_dma semaphore(%dma_wait3A_124 : memref<!tpu.dma_semaphore, #tpu.memory_space<semaphore_mem>>) src(%dma_wait3A_122 : memref<1000x128xf32, #tpu.memory_space<vmem_shared>>) dst(%dma_wait3A_117 : memref<32x128xf32, #tpu.memory_space<vmem>>)
    %add3A_125 = arith.constant 32 : i32
    %add3A_126 = arith.addi %mul3A_2, %add3A_125 : i32
    %dma_start3A_127 = arith.constant 1 : i32
    %dma_start3A_128 = arith.constant 32 : i32
    %dma_start3A_129 = arith.constant 0 : i32
    %dma_start3A_130 = tpu.memref_slice %arg6[%dma_start3A_128, %dma_start3A_129] : memref<512x128xf32, #tpu.memory_space<vmem>> -> memref<32x128xf32, #tpu.memory_space<vmem>>
    %dma_start3A_131 = arith.constant 0 : i32
    %dma_start3A_132 = tpu.memref_slice %arg4[%add3A_126, %dma_start3A_131] : memref<16384x128xf32, #tpu.memory_space<hbm>> -> memref<32x128xf32, #tpu.memory_space<hbm>>
    %dma_start3A_133 = tpu.memref_slice %arg9[%dma_start3A_127] : memref<7x!tpu.dma_semaphore, #tpu.memory_space<semaphore_mem>> -> memref<1x!tpu.dma_semaphore, #tpu.memory_space<semaphore_mem>>
    %dma_start3A_134 = tpu.memref_squeeze %dma_start3A_133 : memref<1x!tpu.dma_semaphore, #tpu.memory_space<semaphore_mem>> -> memref<!tpu.dma_semaphore, #tpu.memory_space<semaphore_mem>>
    %dma_start3A_135 = arith.constant 0 : i32
    %dma_start3A_136 = tpu.memref_slice %arg4[%add3A_126, %dma_start3A_135] : memref<16384x128xf32, #tpu.memory_space<hbm>> -> memref<32x128xf32, #tpu.memory_space<hbm>>
    %dma_start3A_137 = arith.constant 32 : i32
    %dma_start3A_138 = arith.constant 0 : i32
    %dma_start3A_139 = tpu.memref_slice %arg6[%dma_start3A_137, %dma_start3A_138] : memref<512x128xf32, #tpu.memory_space<vmem>> -> memref<32x128xf32, #tpu.memory_space<vmem>>
    tpu.enqueue_dma source(%dma_start3A_139 : memref<32x128xf32, #tpu.memory_space<vmem>>) target(%dma_start3A_136 : memref<32x128xf32, #tpu.memory_space<hbm>>) target_semaphore(%dma_start3A_134 : memref<!tpu.dma_semaphore, #tpu.memory_space<semaphore_mem>>)
    %dma_wait3A_140 = arith.constant 2 : i32
    %dma_wait3A_141 = arith.constant 64 : i32
    %dma_wait3A_142 = arith.constant 0 : i32
    %dma_wait3A_143 = tpu.memref_slice %arg6[%dma_wait3A_141, %dma_wait3A_142] : memref<512x128xf32, #tpu.memory_space<vmem>> -> memref<64x128xf32, #tpu.memory_space<vmem>>
    %dma_wait3A_144 = arith.constant 64 : i32
    %dma_wait3A_145 = tpu.memref_slice %arg5[%dma_wait3A_144] : memref<512xi32, #tpu.memory_space<vmem>> -> memref<64xi32, #tpu.memory_space<vmem>>
    %dma_wait3A_146 = arith.constant 0 : i32
    %dma_wait3A_147 = arith.constant 0 : i32
    %dma_wait3A_148 = tpu.memref_slice %arg7[%dma_wait3A_146, %dma_wait3A_147] : memref<1000x128xf32, #tpu.memory_space<vmem_shared>> -> memref<1000x128xf32, #tpu.memory_space<vmem_shared>>
    %dma_wait3A_149 = tpu.memref_slice %arg8[%dma_wait3A_140] : memref<7x!tpu.dma_semaphore, #tpu.memory_space<semaphore_mem>> -> memref<1x!tpu.dma_semaphore, #tpu.memory_space<semaphore_mem>>
    %dma_wait3A_150 = tpu.memref_squeeze %dma_wait3A_149 : memref<1x!tpu.dma_semaphore, #tpu.memory_space<semaphore_mem>> -> memref<!tpu.dma_semaphore, #tpu.memory_space<semaphore_mem>>
    tpu.wait_indirect_dma semaphore(%dma_wait3A_150 : memref<!tpu.dma_semaphore, #tpu.memory_space<semaphore_mem>>) src(%dma_wait3A_148 : memref<1000x128xf32, #tpu.memory_space<vmem_shared>>) dst(%dma_wait3A_143 : memref<64x128xf32, #tpu.memory_space<vmem>>)
    %add3A_151 = arith.constant 64 : i32
    %add3A_152 = arith.addi %mul3A_2, %add3A_151 : i32
    %dma_start3A_153 = arith.constant 2 : i32
    %dma_start3A_154 = arith.constant 64 : i32
    %dma_start3A_155 = arith.constant 0 : i32
    %dma_start3A_156 = tpu.memref_slice %arg6[%dma_start3A_154, %dma_start3A_155] : memref<512x128xf32, #tpu.memory_space<vmem>> -> memref<64x128xf32, #tpu.memory_space<vmem>>
    %dma_start3A_157 = arith.constant 0 : i32
    %dma_start3A_158 = tpu.memref_slice %arg4[%add3A_152, %dma_start3A_157] : memref<16384x128xf32, #tpu.memory_space<hbm>> -> memref<64x128xf32, #tpu.memory_space<hbm>>
    %dma_start3A_159 = tpu.memref_slice %arg9[%dma_start3A_153] : memref<7x!tpu.dma_semaphore, #tpu.memory_space<semaphore_mem>> -> memref<1x!tpu.dma_semaphore, #tpu.memory_space<semaphore_mem>>
    %dma_start3A_160 = tpu.memref_squeeze %dma_start3A_159 : memref<1x!tpu.dma_semaphore, #tpu.memory_space<semaphore_mem>> -> memref<!tpu.dma_semaphore, #tpu.memory_space<semaphore_mem>>
    %dma_start3A_161 = arith.constant 0 : i32
    %dma_start3A_162 = tpu.memref_slice %arg4[%add3A_152, %dma_start3A_161] : memref<16384x128xf32, #tpu.memory_space<hbm>> -> memref<64x128xf32, #tpu.memory_space<hbm>>
    %dma_start3A_163 = arith.constant 64 : i32
    %dma_start3A_164 = arith.constant 0 : i32
    %dma_start3A_165 = tpu.memref_slice %arg6[%dma_start3A_163, %dma_start3A_164] : memref<512x128xf32, #tpu.memory_space<vmem>> -> memref<64x128xf32, #tpu.memory_space<vmem>>
    tpu.enqueue_dma source(%dma_start3A_165 : memref<64x128xf32, #tpu.memory_space<vmem>>) target(%dma_start3A_162 : memref<64x128xf32, #tpu.memory_space<hbm>>) target_semaphore(%dma_start3A_160 : memref<!tpu.dma_semaphore, #tpu.memory_space<semaphore_mem>>)
    %dma_wait3A_166 = arith.constant 3 : i32
    %dma_wait3A_167 = arith.constant 128 : i32
    %dma_wait3A_168 = arith.constant 0 : i32
    %dma_wait3A_169 = tpu.memref_slice %arg6[%dma_wait3A_167, %dma_wait3A_168] : memref<512x128xf32, #tpu.memory_space<vmem>> -> memref<64x128xf32, #tpu.memory_space<vmem>>
    %dma_wait3A_170 = arith.constant 128 : i32
    %dma_wait3A_171 = tpu.memref_slice %arg5[%dma_wait3A_170] : memref<512xi32, #tpu.memory_space<vmem>> -> memref<64xi32, #tpu.memory_space<vmem>>
    %dma_wait3A_172 = arith.constant 0 : i32
    %dma_wait3A_173 = arith.constant 0 : i32
    %dma_wait3A_174 = tpu.memref_slice %arg7[%dma_wait3A_172, %dma_wait3A_173] : memref<1000x128xf32, #tpu.memory_space<vmem_shared>> -> memref<1000x128xf32, #tpu.memory_space<vmem_shared>>
    %dma_wait3A_175 = tpu.memref_slice %arg8[%dma_wait3A_166] : memref<7x!tpu.dma_semaphore, #tpu.memory_space<semaphore_mem>> -> memref<1x!tpu.dma_semaphore, #tpu.memory_space<semaphore_mem>>
    %dma_wait3A_176 = tpu.memref_squeeze %dma_wait3A_175 : memref<1x!tpu.dma_semaphore, #tpu.memory_space<semaphore_mem>> -> memref<!tpu.dma_semaphore, #tpu.memory_space<semaphore_mem>>
    tpu.wait_indirect_dma semaphore(%dma_wait3A_176 : memref<!tpu.dma_semaphore, #tpu.memory_space<semaphore_mem>>) src(%dma_wait3A_174 : memref<1000x128xf32, #tpu.memory_space<vmem_shared>>) dst(%dma_wait3A_169 : memref<64x128xf32, #tpu.memory_space<vmem>>)
    %add3A_177 = arith.constant 128 : i32
    %add3A_178 = arith.addi %mul3A_2, %add3A_177 : i32
    %dma_start3A_179 = arith.constant 3 : i32
    %dma_start3A_180 = arith.constant 128 : i32
    %dma_start3A_181 = arith.constant 0 : i32
    %dma_start3A_182 = tpu.memref_slice %arg6[%dma_start3A_180, %dma_start3A_181] : memref<512x128xf32, #tpu.memory_space<vmem>> -> memref<64x128xf32, #tpu.memory_space<vmem>>
    %dma_start3A_183 = arith.constant 0 : i32
    %dma_start3A_184 = tpu.memref_slice %arg4[%add3A_178, %dma_start3A_183] : memref<16384x128xf32, #tpu.memory_space<hbm>> -> memref<64x128xf32, #tpu.memory_space<hbm>>
    %dma_start3A_185 = tpu.memref_slice %arg9[%dma_start3A_179] : memref<7x!tpu.dma_semaphore, #tpu.memory_space<semaphore_mem>> -> memref<1x!tpu.dma_semaphore, #tpu.memory_space<semaphore_mem>>
    %dma_start3A_186 = tpu.memref_squeeze %dma_start3A_185 : memref<1x!tpu.dma_semaphore, #tpu.memory_space<semaphore_mem>> -> memref<!tpu.dma_semaphore, #tpu.memory_space<semaphore_mem>>
    %dma_start3A_187 = arith.constant 0 : i32
    %dma_start3A_188 = tpu.memref_slice %arg4[%add3A_178, %dma_start3A_187] : memref<16384x128xf32, #tpu.memory_space<hbm>> -> memref<64x128xf32, #tpu.memory_space<hbm>>
    %dma_start3A_189 = arith.constant 128 : i32
    %dma_start3A_190 = arith.constant 0 : i32
    %dma_start3A_191 = tpu.memref_slice %arg6[%dma_start3A_189, %dma_start3A_190] : memref<512x128xf32, #tpu.memory_space<vmem>> -> memref<64x128xf32, #tpu.memory_space<vmem>>
    tpu.enqueue_dma source(%dma_start3A_191 : memref<64x128xf32, #tpu.memory_space<vmem>>) target(%dma_start3A_188 : memref<64x128xf32, #tpu.memory_space<hbm>>) target_semaphore(%dma_start3A_186 : memref<!tpu.dma_semaphore, #tpu.memory_space<semaphore_mem>>)
    %dma_wait3A_192 = arith.constant 4 : i32
    %dma_wait3A_193 = arith.constant 192 : i32
    %dma_wait3A_194 = arith.constant 0 : i32
    %dma_wait3A_195 = tpu.memref_slice %arg6[%dma_wait3A_193, %dma_wait3A_194] : memref<512x128xf32, #tpu.memory_space<vmem>> -> memref<96x128xf32, #tpu.memory_space<vmem>>
    %dma_wait3A_196 = arith.constant 192 : i32
    %dma_wait3A_197 = tpu.memref_slice %arg5[%dma_wait3A_196] : memref<512xi32, #tpu.memory_space<vmem>> -> memref<96xi32, #tpu.memory_space<vmem>>
    %dma_wait3A_198 = arith.constant 0 : i32
    %dma_wait3A_199 = arith.constant 0 : i32
    %dma_wait3A_200 = tpu.memref_slice %arg7[%dma_wait3A_198, %dma_wait3A_199] : memref<1000x128xf32, #tpu.memory_space<vmem_shared>> -> memref<1000x128xf32, #tpu.memory_space<vmem_shared>>
    %dma_wait3A_201 = tpu.memref_slice %arg8[%dma_wait3A_192] : memref<7x!tpu.dma_semaphore, #tpu.memory_space<semaphore_mem>> -> memref<1x!tpu.dma_semaphore, #tpu.memory_space<semaphore_mem>>
    %dma_wait3A_202 = tpu.memref_squeeze %dma_wait3A_201 : memref<1x!tpu.dma_semaphore, #tpu.memory_space<semaphore_mem>> -> memref<!tpu.dma_semaphore, #tpu.memory_space<semaphore_mem>>
    tpu.wait_indirect_dma semaphore(%dma_wait3A_202 : memref<!tpu.dma_semaphore, #tpu.memory_space<semaphore_mem>>) src(%dma_wait3A_200 : memref<1000x128xf32, #tpu.memory_space<vmem_shared>>) dst(%dma_wait3A_195 : memref<96x128xf32, #tpu.memory_space<vmem>>)
    %add3A_203 = arith.constant 192 : i32
    %add3A_204 = arith.addi %mul3A_2, %add3A_203 : i32
    %dma_start3A_205 = arith.constant 4 : i32
    %dma_start3A_206 = arith.constant 192 : i32
    %dma_start3A_207 = arith.constant 0 : i32
    %dma_start3A_208 = tpu.memref_slice %arg6[%dma_start3A_206, %dma_start3A_207] : memref<512x128xf32, #tpu.memory_space<vmem>> -> memref<96x128xf32, #tpu.memory_space<vmem>>
    %dma_start3A_209 = arith.constant 0 : i32
    %dma_start3A_210 = tpu.memref_slice %arg4[%add3A_204, %dma_start3A_209] : memref<16384x128xf32, #tpu.memory_space<hbm>> -> memref<96x128xf32, #tpu.memory_space<hbm>>
    %dma_start3A_211 = tpu.memref_slice %arg9[%dma_start3A_205] : memref<7x!tpu.dma_semaphore, #tpu.memory_space<semaphore_mem>> -> memref<1x!tpu.dma_semaphore, #tpu.memory_space<semaphore_mem>>
    %dma_start3A_212 = tpu.memref_squeeze %dma_start3A_211 : memref<1x!tpu.dma_semaphore, #tpu.memory_space<semaphore_mem>> -> memref<!tpu.dma_semaphore, #tpu.memory_space<semaphore_mem>>
    %dma_start3A_213 = arith.constant 0 : i32
    %dma_start3A_214 = tpu.memref_slice %arg4[%add3A_204, %dma_start3A_213] : memref<16384x128xf32, #tpu.memory_space<hbm>> -> memref<96x128xf32, #tpu.memory_space<hbm>>
    %dma_start3A_215 = arith.constant 192 : i32
    %dma_start3A_216 = arith.constant 0 : i32
    %dma_start3A_217 = tpu.memref_slice %arg6[%dma_start3A_215, %dma_start3A_216] : memref<512x128xf32, #tpu.memory_space<vmem>> -> memref<96x128xf32, #tpu.memory_space<vmem>>
    tpu.enqueue_dma source(%dma_start3A_217 : memref<96x128xf32, #tpu.memory_space<vmem>>) target(%dma_start3A_214 : memref<96x128xf32, #tpu.memory_space<hbm>>) target_semaphore(%dma_start3A_212 : memref<!tpu.dma_semaphore, #tpu.memory_space<semaphore_mem>>)
    %dma_wait3A_218 = arith.constant 5 : i32
    %dma_wait3A_219 = arith.constant 288 : i32
    %dma_wait3A_220 = arith.constant 0 : i32
    %dma_wait3A_221 = tpu.memref_slice %arg6[%dma_wait3A_219, %dma_wait3A_220] : memref<512x128xf32, #tpu.memory_space<vmem>> -> memref<112x128xf32, #tpu.memory_space<vmem>>
    %dma_wait3A_222 = arith.constant 288 : i32
    %dma_wait3A_223 = tpu.memref_slice %arg5[%dma_wait3A_222] : memref<512xi32, #tpu.memory_space<vmem>> -> memref<112xi32, #tpu.memory_space<vmem>>
    %dma_wait3A_224 = arith.constant 0 : i32
    %dma_wait3A_225 = arith.constant 0 : i32
    %dma_wait3A_226 = tpu.memref_slice %arg7[%dma_wait3A_224, %dma_wait3A_225] : memref<1000x128xf32, #tpu.memory_space<vmem_shared>> -> memref<1000x128xf32, #tpu.memory_space<vmem_shared>>
    %dma_wait3A_227 = tpu.memref_slice %arg8[%dma_wait3A_218] : memref<7x!tpu.dma_semaphore, #tpu.memory_space<semaphore_mem>> -> memref<1x!tpu.dma_semaphore, #tpu.memory_space<semaphore_mem>>
    %dma_wait3A_228 = tpu.memref_squeeze %dma_wait3A_227 : memref<1x!tpu.dma_semaphore, #tpu.memory_space<semaphore_mem>> -> memref<!tpu.dma_semaphore, #tpu.memory_space<semaphore_mem>>
    tpu.wait_indirect_dma semaphore(%dma_wait3A_228 : memref<!tpu.dma_semaphore, #tpu.memory_space<semaphore_mem>>) src(%dma_wait3A_226 : memref<1000x128xf32, #tpu.memory_space<vmem_shared>>) dst(%dma_wait3A_221 : memref<112x128xf32, #tpu.memory_space<vmem>>)
    %add3A_229 = arith.constant 288 : i32
    %add3A_230 = arith.addi %mul3A_2, %add3A_229 : i32
    %dma_start3A_231 = arith.constant 5 : i32
    %dma_start3A_232 = arith.constant 288 : i32
    %dma_start3A_233 = arith.constant 0 : i32
    %dma_start3A_234 = tpu.memref_slice %arg6[%dma_start3A_232, %dma_start3A_233] : memref<512x128xf32, #tpu.memory_space<vmem>> -> memref<112x128xf32, #tpu.memory_space<vmem>>
    %dma_start3A_235 = arith.constant 0 : i32
    %dma_start3A_236 = tpu.memref_slice %arg4[%add3A_230, %dma_start3A_235] : memref<16384x128xf32, #tpu.memory_space<hbm>> -> memref<112x128xf32, #tpu.memory_space<hbm>>
    %dma_start3A_237 = tpu.memref_slice %arg9[%dma_start3A_231] : memref<7x!tpu.dma_semaphore, #tpu.memory_space<semaphore_mem>> -> memref<1x!tpu.dma_semaphore, #tpu.memory_space<semaphore_mem>>
    %dma_start3A_238 = tpu.memref_squeeze %dma_start3A_237 : memref<1x!tpu.dma_semaphore, #tpu.memory_space<semaphore_mem>> -> memref<!tpu.dma_semaphore, #tpu.memory_space<semaphore_mem>>
    %dma_start3A_239 = arith.constant 0 : i32
    %dma_start3A_240 = tpu.memref_slice %arg4[%add3A_230, %dma_start3A_239] : memref<16384x128xf32, #tpu.memory_space<hbm>> -> memref<112x128xf32, #tpu.memory_space<hbm>>
    %dma_start3A_241 = arith.constant 288 : i32
    %dma_start3A_242 = arith.constant 0 : i32
    %dma_start3A_243 = tpu.memref_slice %arg6[%dma_start3A_241, %dma_start3A_242] : memref<512x128xf32, #tpu.memory_space<vmem>> -> memref<112x128xf32, #tpu.memory_space<vmem>>
    tpu.enqueue_dma source(%dma_start3A_243 : memref<112x128xf32, #tpu.memory_space<vmem>>) target(%dma_start3A_240 : memref<112x128xf32, #tpu.memory_space<hbm>>) target_semaphore(%dma_start3A_238 : memref<!tpu.dma_semaphore, #tpu.memory_space<semaphore_mem>>)
    %dma_wait3A_244 = arith.constant 6 : i32
    %dma_wait3A_245 = arith.constant 400 : i32
    %dma_wait3A_246 = arith.constant 0 : i32
    %dma_wait3A_247 = tpu.memref_slice %arg6[%dma_wait3A_245, %dma_wait3A_246] : memref<512x128xf32, #tpu.memory_space<vmem>> -> memref<112x128xf32, #tpu.memory_space<vmem>>
    %dma_wait3A_248 = arith.constant 400 : i32
    %dma_wait3A_249 = tpu.memref_slice %arg5[%dma_wait3A_248] : memref<512xi32, #tpu.memory_space<vmem>> -> memref<112xi32, #tpu.memory_space<vmem>>
    %dma_wait3A_250 = arith.constant 0 : i32
    %dma_wait3A_251 = arith.constant 0 : i32
    %dma_wait3A_252 = tpu.memref_slice %arg7[%dma_wait3A_250, %dma_wait3A_251] : memref<1000x128xf32, #tpu.memory_space<vmem_shared>> -> memref<1000x128xf32, #tpu.memory_space<vmem_shared>>
    %dma_wait3A_253 = tpu.memref_slice %arg8[%dma_wait3A_244] : memref<7x!tpu.dma_semaphore, #tpu.memory_space<semaphore_mem>> -> memref<1x!tpu.dma_semaphore, #tpu.memory_space<semaphore_mem>>
    %dma_wait3A_254 = tpu.memref_squeeze %dma_wait3A_253 : memref<1x!tpu.dma_semaphore, #tpu.memory_space<semaphore_mem>> -> memref<!tpu.dma_semaphore, #tpu.memory_space<semaphore_mem>>
    tpu.wait_indirect_dma semaphore(%dma_wait3A_254 : memref<!tpu.dma_semaphore, #tpu.memory_space<semaphore_mem>>) src(%dma_wait3A_252 : memref<1000x128xf32, #tpu.memory_space<vmem_shared>>) dst(%dma_wait3A_247 : memref<112x128xf32, #tpu.memory_space<vmem>>)
    %add3A_255 = arith.constant 400 : i32
    %add3A_256 = arith.addi %mul3A_2, %add3A_255 : i32
    %dma_start3A_257 = arith.constant 6 : i32
    %dma_start3A_258 = arith.constant 400 : i32
    %dma_start3A_259 = arith.constant 0 : i32
    %dma_start3A_260 = tpu.memref_slice %arg6[%dma_start3A_258, %dma_start3A_259] : memref<512x128xf32, #tpu.memory_space<vmem>> -> memref<112x128xf32, #tpu.memory_space<vmem>>
    %dma_start3A_261 = arith.constant 0 : i32
    %dma_start3A_262 = tpu.memref_slice %arg4[%add3A_256, %dma_start3A_261] : memref<16384x128xf32, #tpu.memory_space<hbm>> -> memref<112x128xf32, #tpu.memory_space<hbm>>
    %dma_start3A_263 = tpu.memref_slice %arg9[%dma_start3A_257] : memref<7x!tpu.dma_semaphore, #tpu.memory_space<semaphore_mem>> -> memref<1x!tpu.dma_semaphore, #tpu.memory_space<semaphore_mem>>
    %dma_start3A_264 = tpu.memref_squeeze %dma_start3A_263 : memref<1x!tpu.dma_semaphore, #tpu.memory_space<semaphore_mem>> -> memref<!tpu.dma_semaphore, #tpu.memory_space<semaphore_mem>>
    %dma_start3A_265 = arith.constant 0 : i32
    %dma_start3A_266 = tpu.memref_slice %arg4[%add3A_256, %dma_start3A_265] : memref<16384x128xf32, #tpu.memory_space<hbm>> -> memref<112x128xf32, #tpu.memory_space<hbm>>
    %dma_start3A_267 = arith.constant 400 : i32
    %dma_start3A_268 = arith.constant 0 : i32
    %dma_start3A_269 = tpu.memref_slice %arg6[%dma_start3A_267, %dma_start3A_268] : memref<512x128xf32, #tpu.memory_space<vmem>> -> memref<112x128xf32, #tpu.memory_space<vmem>>
    tpu.enqueue_dma source(%dma_start3A_269 : memref<112x128xf32, #tpu.memory_space<vmem>>) target(%dma_start3A_266 : memref<112x128xf32, #tpu.memory_space<hbm>>) target_semaphore(%dma_start3A_264 : memref<!tpu.dma_semaphore, #tpu.memory_space<semaphore_mem>>)
    %dma_wait3A_270 = arith.constant 0 : i32
    %dma_wait3A_271 = arith.constant 0 : i32
    %dma_wait3A_272 = arith.constant 0 : i32
    %dma_wait3A_273 = tpu.memref_slice %arg6[%dma_wait3A_271, %dma_wait3A_272] : memref<512x128xf32, #tpu.memory_space<vmem>> -> memref<32x128xf32, #tpu.memory_space<vmem>>
    %dma_wait3A_274 = arith.constant 0 : i32
    %dma_wait3A_275 = tpu.memref_slice %arg4[%add3A_100, %dma_wait3A_274] : memref<16384x128xf32, #tpu.memory_space<hbm>> -> memref<32x128xf32, #tpu.memory_space<hbm>>
    %dma_wait3A_276 = tpu.memref_slice %arg9[%dma_wait3A_270] : memref<7x!tpu.dma_semaphore, #tpu.memory_space<semaphore_mem>> -> memref<1x!tpu.dma_semaphore, #tpu.memory_space<semaphore_mem>>
    %dma_wait3A_277 = tpu.memref_squeeze %dma_wait3A_276 : memref<1x!tpu.dma_semaphore, #tpu.memory_space<semaphore_mem>> -> memref<!tpu.dma_semaphore, #tpu.memory_space<semaphore_mem>>
    %dma_wait3A_278 = arith.constant 0 : i32
    %dma_wait3A_279 = tpu.memref_slice %arg4[%add3A_100, %dma_wait3A_278] : memref<16384x128xf32, #tpu.memory_space<hbm>> -> memref<32x128xf32, #tpu.memory_space<hbm>>
    %dma_wait3A_280 = arith.constant 0 : i32
    %dma_wait3A_281 = arith.constant 0 : i32
    %dma_wait3A_282 = tpu.memref_slice %arg6[%dma_wait3A_280, %dma_wait3A_281] : memref<512x128xf32, #tpu.memory_space<vmem>> -> memref<32x128xf32, #tpu.memory_space<vmem>>
    tpu.wait_dma2 semaphore(%dma_wait3A_277 : memref<!tpu.dma_semaphore, #tpu.memory_space<semaphore_mem>>) src(%dma_wait3A_282 : memref<32x128xf32, #tpu.memory_space<vmem>>) dst(%dma_wait3A_279 : memref<32x128xf32, #tpu.memory_space<hbm>>)
    %dma_wait3A_283 = arith.constant 1 : i32
    %dma_wait3A_284 = arith.constant 32 : i32
    %dma_wait3A_285 = arith.constant 0 : i32
    %dma_wait3A_286 = tpu.memref_slice %arg6[%dma_wait3A_284, %dma_wait3A_285] : memref<512x128xf32, #tpu.memory_space<vmem>> -> memref<32x128xf32, #tpu.memory_space<vmem>>
    %dma_wait3A_287 = arith.constant 0 : i32
    %dma_wait3A_288 = tpu.memref_slice %arg4[%add3A_126, %dma_wait3A_287] : memref<16384x128xf32, #tpu.memory_space<hbm>> -> memref<32x128xf32, #tpu.memory_space<hbm>>
    %dma_wait3A_289 = tpu.memref_slice %arg9[%dma_wait3A_283] : memref<7x!tpu.dma_semaphore, #tpu.memory_space<semaphore_mem>> -> memref<1x!tpu.dma_semaphore, #tpu.memory_space<semaphore_mem>>
    %dma_wait3A_290 = tpu.memref_squeeze %dma_wait3A_289 : memref<1x!tpu.dma_semaphore, #tpu.memory_space<semaphore_mem>> -> memref<!tpu.dma_semaphore, #tpu.memory_space<semaphore_mem>>
    %dma_wait3A_291 = arith.constant 0 : i32
    %dma_wait3A_292 = tpu.memref_slice %arg4[%add3A_126, %dma_wait3A_291] : memref<16384x128xf32, #tpu.memory_space<hbm>> -> memref<32x128xf32, #tpu.memory_space<hbm>>
    %dma_wait3A_293 = arith.constant 32 : i32
    %dma_wait3A_294 = arith.constant 0 : i32
    %dma_wait3A_295 = tpu.memref_slice %arg6[%dma_wait3A_293, %dma_wait3A_294] : memref<512x128xf32, #tpu.memory_space<vmem>> -> memref<32x128xf32, #tpu.memory_space<vmem>>
    tpu.wait_dma2 semaphore(%dma_wait3A_290 : memref<!tpu.dma_semaphore, #tpu.memory_space<semaphore_mem>>) src(%dma_wait3A_295 : memref<32x128xf32, #tpu.memory_space<vmem>>) dst(%dma_wait3A_292 : memref<32x128xf32, #tpu.memory_space<hbm>>)
    %dma_wait3A_296 = arith.constant 2 : i32
    %dma_wait3A_297 = arith.constant 64 : i32
    %dma_wait3A_298 = arith.constant 0 : i32
    %dma_wait3A_299 = tpu.memref_slice %arg6[%dma_wait3A_297, %dma_wait3A_298] : memref<512x128xf32, #tpu.memory_space<vmem>> -> memref<64x128xf32, #tpu.memory_space<vmem>>
    %dma_wait3A_300 = arith.constant 0 : i32
    %dma_wait3A_301 = tpu.memref_slice %arg4[%add3A_152, %dma_wait3A_300] : memref<16384x128xf32, #tpu.memory_space<hbm>> -> memref<64x128xf32, #tpu.memory_space<hbm>>
    %dma_wait3A_302 = tpu.memref_slice %arg9[%dma_wait3A_296] : memref<7x!tpu.dma_semaphore, #tpu.memory_space<semaphore_mem>> -> memref<1x!tpu.dma_semaphore, #tpu.memory_space<semaphore_mem>>
    %dma_wait3A_303 = tpu.memref_squeeze %dma_wait3A_302 : memref<1x!tpu.dma_semaphore, #tpu.memory_space<semaphore_mem>> -> memref<!tpu.dma_semaphore, #tpu.memory_space<semaphore_mem>>
    %dma_wait3A_304 = arith.constant 0 : i32
    %dma_wait3A_305 = tpu.memref_slice %arg4[%add3A_152, %dma_wait3A_304] : memref<16384x128xf32, #tpu.memory_space<hbm>> -> memref<64x128xf32, #tpu.memory_space<hbm>>
    %dma_wait3A_306 = arith.constant 64 : i32
    %dma_wait3A_307 = arith.constant 0 : i32
    %dma_wait3A_308 = tpu.memref_slice %arg6[%dma_wait3A_306, %dma_wait3A_307] : memref<512x128xf32, #tpu.memory_space<vmem>> -> memref<64x128xf32, #tpu.memory_space<vmem>>
    tpu.wait_dma2 semaphore(%dma_wait3A_303 : memref<!tpu.dma_semaphore, #tpu.memory_space<semaphore_mem>>) src(%dma_wait3A_308 : memref<64x128xf32, #tpu.memory_space<vmem>>) dst(%dma_wait3A_305 : memref<64x128xf32, #tpu.memory_space<hbm>>)
    %dma_wait3A_309 = arith.constant 3 : i32
    %dma_wait3A_310 = arith.constant 128 : i32
    %dma_wait3A_311 = arith.constant 0 : i32
    %dma_wait3A_312 = tpu.memref_slice %arg6[%dma_wait3A_310, %dma_wait3A_311] : memref<512x128xf32, #tpu.memory_space<vmem>> -> memref<64x128xf32, #tpu.memory_space<vmem>>
    %dma_wait3A_313 = arith.constant 0 : i32
    %dma_wait3A_314 = tpu.memref_slice %arg4[%add3A_178, %dma_wait3A_313] : memref<16384x128xf32, #tpu.memory_space<hbm>> -> memref<64x128xf32, #tpu.memory_space<hbm>>
    %dma_wait3A_315 = tpu.memref_slice %arg9[%dma_wait3A_309] : memref<7x!tpu.dma_semaphore, #tpu.memory_space<semaphore_mem>> -> memref<1x!tpu.dma_semaphore, #tpu.memory_space<semaphore_mem>>
    %dma_wait3A_316 = tpu.memref_squeeze %dma_wait3A_315 : memref<1x!tpu.dma_semaphore, #tpu.memory_space<semaphore_mem>> -> memref<!tpu.dma_semaphore, #tpu.memory_space<semaphore_mem>>
    %dma_wait3A_317 = arith.constant 0 : i32
    %dma_wait3A_318 = tpu.memref_slice %arg4[%add3A_178, %dma_wait3A_317] : memref<16384x128xf32, #tpu.memory_space<hbm>> -> memref<64x128xf32, #tpu.memory_space<hbm>>
    %dma_wait3A_319 = arith.constant 128 : i32
    %dma_wait3A_320 = arith.constant 0 : i32
    %dma_wait3A_321 = tpu.memref_slice %arg6[%dma_wait3A_319, %dma_wait3A_320] : memref<512x128xf32, #tpu.memory_space<vmem>> -> memref<64x128xf32, #tpu.memory_space<vmem>>
    tpu.wait_dma2 semaphore(%dma_wait3A_316 : memref<!tpu.dma_semaphore, #tpu.memory_space<semaphore_mem>>) src(%dma_wait3A_321 : memref<64x128xf32, #tpu.memory_space<vmem>>) dst(%dma_wait3A_318 : memref<64x128xf32, #tpu.memory_space<hbm>>)
    %dma_wait3A_322 = arith.constant 4 : i32
    %dma_wait3A_323 = arith.constant 192 : i32
    %dma_wait3A_324 = arith.constant 0 : i32
    %dma_wait3A_325 = tpu.memref_slice %arg6[%dma_wait3A_323, %dma_wait3A_324] : memref<512x128xf32, #tpu.memory_space<vmem>> -> memref<96x128xf32, #tpu.memory_space<vmem>>
    %dma_wait3A_326 = arith.constant 0 : i32
    %dma_wait3A_327 = tpu.memref_slice %arg4[%add3A_204, %dma_wait3A_326] : memref<16384x128xf32, #tpu.memory_space<hbm>> -> memref<96x128xf32, #tpu.memory_space<hbm>>
    %dma_wait3A_328 = tpu.memref_slice %arg9[%dma_wait3A_322] : memref<7x!tpu.dma_semaphore, #tpu.memory_space<semaphore_mem>> -> memref<1x!tpu.dma_semaphore, #tpu.memory_space<semaphore_mem>>
    %dma_wait3A_329 = tpu.memref_squeeze %dma_wait3A_328 : memref<1x!tpu.dma_semaphore, #tpu.memory_space<semaphore_mem>> -> memref<!tpu.dma_semaphore, #tpu.memory_space<semaphore_mem>>
    %dma_wait3A_330 = arith.constant 0 : i32
    %dma_wait3A_331 = tpu.memref_slice %arg4[%add3A_204, %dma_wait3A_330] : memref<16384x128xf32, #tpu.memory_space<hbm>> -> memref<96x128xf32, #tpu.memory_space<hbm>>
    %dma_wait3A_332 = arith.constant 192 : i32
    %dma_wait3A_333 = arith.constant 0 : i32
    %dma_wait3A_334 = tpu.memref_slice %arg6[%dma_wait3A_332, %dma_wait3A_333] : memref<512x128xf32, #tpu.memory_space<vmem>> -> memref<96x128xf32, #tpu.memory_space<vmem>>
    tpu.wait_dma2 semaphore(%dma_wait3A_329 : memref<!tpu.dma_semaphore, #tpu.memory_space<semaphore_mem>>) src(%dma_wait3A_334 : memref<96x128xf32, #tpu.memory_space<vmem>>) dst(%dma_wait3A_331 : memref<96x128xf32, #tpu.memory_space<hbm>>)
    %dma_wait3A_335 = arith.constant 5 : i32
    %dma_wait3A_336 = arith.constant 288 : i32
    %dma_wait3A_337 = arith.constant 0 : i32
    %dma_wait3A_338 = tpu.memref_slice %arg6[%dma_wait3A_336, %dma_wait3A_337] : memref<512x128xf32, #tpu.memory_space<vmem>> -> memref<112x128xf32, #tpu.memory_space<vmem>>
    %dma_wait3A_339 = arith.constant 0 : i32
    %dma_wait3A_340 = tpu.memref_slice %arg4[%add3A_230, %dma_wait3A_339] : memref<16384x128xf32, #tpu.memory_space<hbm>> -> memref<112x128xf32, #tpu.memory_space<hbm>>
    %dma_wait3A_341 = tpu.memref_slice %arg9[%dma_wait3A_335] : memref<7x!tpu.dma_semaphore, #tpu.memory_space<semaphore_mem>> -> memref<1x!tpu.dma_semaphore, #tpu.memory_space<semaphore_mem>>
    %dma_wait3A_342 = tpu.memref_squeeze %dma_wait3A_341 : memref<1x!tpu.dma_semaphore, #tpu.memory_space<semaphore_mem>> -> memref<!tpu.dma_semaphore, #tpu.memory_space<semaphore_mem>>
    %dma_wait3A_343 = arith.constant 0 : i32
    %dma_wait3A_344 = tpu.memref_slice %arg4[%add3A_230, %dma_wait3A_343] : memref<16384x128xf32, #tpu.memory_space<hbm>> -> memref<112x128xf32, #tpu.memory_space<hbm>>
    %dma_wait3A_345 = arith.constant 288 : i32
    %dma_wait3A_346 = arith.constant 0 : i32
    %dma_wait3A_347 = tpu.memref_slice %arg6[%dma_wait3A_345, %dma_wait3A_346] : memref<512x128xf32, #tpu.memory_space<vmem>> -> memref<112x128xf32, #tpu.memory_space<vmem>>
    tpu.wait_dma2 semaphore(%dma_wait3A_342 : memref<!tpu.dma_semaphore, #tpu.memory_space<semaphore_mem>>) src(%dma_wait3A_347 : memref<112x128xf32, #tpu.memory_space<vmem>>) dst(%dma_wait3A_344 : memref<112x128xf32, #tpu.memory_space<hbm>>)
    %dma_wait3A_348 = arith.constant 6 : i32
    %dma_wait3A_349 = arith.constant 400 : i32
    %dma_wait3A_350 = arith.constant 0 : i32
    %dma_wait3A_351 = tpu.memref_slice %arg6[%dma_wait3A_349, %dma_wait3A_350] : memref<512x128xf32, #tpu.memory_space<vmem>> -> memref<112x128xf32, #tpu.memory_space<vmem>>
    %dma_wait3A_352 = arith.constant 0 : i32
    %dma_wait3A_353 = tpu.memref_slice %arg4[%add3A_256, %dma_wait3A_352] : memref<16384x128xf32, #tpu.memory_space<hbm>> -> memref<112x128xf32, #tpu.memory_space<hbm>>
    %dma_wait3A_354 = tpu.memref_slice %arg9[%dma_wait3A_348] : memref<7x!tpu.dma_semaphore, #tpu.memory_space<semaphore_mem>> -> memref<1x!tpu.dma_semaphore, #tpu.memory_space<semaphore_mem>>
    %dma_wait3A_355 = tpu.memref_squeeze %dma_wait3A_354 : memref<1x!tpu.dma_semaphore, #tpu.memory_space<semaphore_mem>> -> memref<!tpu.dma_semaphore, #tpu.memory_space<semaphore_mem>>
    %dma_wait3A_356 = arith.constant 0 : i32
    %dma_wait3A_357 = tpu.memref_slice %arg4[%add3A_256, %dma_wait3A_356] : memref<16384x128xf32, #tpu.memory_space<hbm>> -> memref<112x128xf32, #tpu.memory_space<hbm>>
    %dma_wait3A_358 = arith.constant 400 : i32
    %dma_wait3A_359 = arith.constant 0 : i32
    %dma_wait3A_360 = tpu.memref_slice %arg6[%dma_wait3A_358, %dma_wait3A_359] : memref<512x128xf32, #tpu.memory_space<vmem>> -> memref<112x128xf32, #tpu.memory_space<vmem>>
    tpu.wait_dma2 semaphore(%dma_wait3A_355 : memref<!tpu.dma_semaphore, #tpu.memory_space<semaphore_mem>>) src(%dma_wait3A_360 : memref<112x128xf32, #tpu.memory_space<vmem>>) dst(%dma_wait3A_357 : memref<112x128xf32, #tpu.memory_space<hbm>>)
    return
  }
}

</mosaic_0001>

<sc_bundles>
// kernel: kernel.3.cloned.1.call-start
scs
__scs_entry_jumppad:
0x0: {  	(pc) =	sbr.rel $0x88, $3  }
0x1: {  	(tag) =	ssettag $0x0;
	lr =	simm.s32 $0x1  }
0x2: {  	[smem:$0x3F9F] =	sst lr;
	_ =	strace $0xD0000000  }
0x3: {  	_ = 	snop  }
0x4: {  	_ = 	snop  }
0x5: {  	_ = 	snop  }
0x6: {  	_ = 	snop  }
0x7: {  	_ = 	snop  }
__scs_overlays_trampoline_lowered:
0x8: {  	[smem:$0x3FAE] =	sst s0  }
0x9: {  	[smem:$0x3FAF] =	sst s1  }
0xa: {  	[smem:$0x3FB0] =	sst s2  }
0xb: {  	[smem:$0x3FB1] =	sst s3  }
0xc: {  	[smem:$0x3FB2] =	sst s4  }
0xd: {  	[smem:$0x3FB3] =	sst s5  }
0xe: {  	[smem:$0x3FB4] =	sst s6  }
0xf: {  	[smem:$0x3FB5] =	sst s7  }
0x10: {  	[smem:$0x3FB6] =	sst s8  }
0x11: {  	[smem:$0x3FB7] =	sst s9;
	s0 =	simm.s32 @!p0 $0x0  }
0x12: {  	s1 =	sld [smem:$0x3F9D];
	s0 =	simm.s32 @p0 $0x1  }
0x13: {  	[smem:$0x3FB8] =	sst s0;
	s0 =	simm.s32 @!p1 $0x0  }
0x14: {  	s2 =	sld [smem:$0x3F9C];
	s0 =	simm.s32 @p1 $0x1  }
0x15: {  	[smem:$0x3FB9] =	sst s0;
	s0 =	simm.s32 @!p2 $0x0  }
0x16: {  	s3 =	sld [smem:$0x3FDB];
	s0 =	simm.s32 @p2 $0x1  }
0x17: {  	s4 =	simm.s32 $0x1BF5;
	[smem:$0x3FBB] =	sst s0  }
0x18: {  	s0 =	sld [smem:$0x3F9E];
	_ =	swait.ge [sflag:s4], $0x0  }
0x19: {  	s7 =	sld [smem:$0x3F9F]  }
0x1a: {  	s8 =	sadd.s32 $0xFFFFE003, lr  }
0x1b: {  	s9 =	sadd.s32 $0xFFFFFEF7, lr;
	s5 =	simm.s32 $0xFFFFFFFF;
	p2 =	slt.u32 s8, $0xFFFFF086  }
0x1c: {  	p1 =	slt.u32 s9, $0xF7A;
	s5 =	simm.s32 @!p2 $0x0  }
0x1d: {  	s5 =	simm.s32 @p1 $0x1;
	p0 =	seq.s32 s7, s2  }
0x1e: {  	s7 =	smul.u32 @!p0 $0xF7A, s2;
	p2 =	seq.s32 @!p0 s5, $0x0  }
0x1f: {  	s9 =	smul.u32 $0xF7A, s1;
	s8 =	simm.s32 @!p0 $0x1BF5;
	p2 =	por !p2, p0  }
0x20: {  	[sflag:s8] =	ssyncset.s32 @!p0 $0xFFFFF086;
	s6 =	sadd.s32 @!p0 s3, s7;
	s7 =	simm.s32 @!p0 $0x108  }
0x21: {  	s3 =	sadd.s32 s3, s9;
	s6 =	sadd.s32 @!p0 $0x88, s6;
	s7 =	simm.s32 @p2 $0x1082  }
0x22: {  	[simem:s7], [sflag:s8] =	dma.local @!p0 [hbm:s6], $0xF7A  }
0x23: {  	s9 =	sor.u32 $0xD0000000, s2;
	s6 =	simm.s32 $0x108;
	_ =	swait.ge @!p0 [sflag:s8], $0x0  }
0x24: {  	s3 =	sadd.s32 $0x88, s3;
	s6 =	simm.s32 @!p1 $0x1082;
	[sflag:s4] =	ssyncset.s32 $0xFFFFF086  }
0x25: {  	[simem:s6], [sflag:s4] =	dma.local [hbm:s3], $0xF7A  }
0x26: {  	[smem:$0x3F9F] =	sst s1;
	(tag) =	ssettag s2;
	_ =	strace s9  }
0x27: {  	s1 =	sld [smem:$0x3FAF]  }
0x28: {  	s2 =	sld [smem:$0x3FB0]  }
0x29: {  	s4 =	sld [smem:$0x3FB2]  }
0x2a: {  	p0 =	seq.s32 s5, $0x0;
	s5 =	sld [smem:$0x3FB3]  }
0x2b: {  	s6 =	sld [smem:$0x3FB4]  }
0x2c: {  	s7 =	sld [smem:$0x3FB5]  }
0x2d: {  	s3 =	simm.s32 $0x108;
	s8 =	sld [smem:$0x3FB6]  }
0x2e: {  	s3 =	simm.s32 @!p0 $0x1082;
	s9 =	sld [smem:$0x3FB7]  }
0x2f: {  	lr =	sadd.s32 s0, s3;
	s0 =	sld [smem:$0x3FAE]  }
0x30: {  	s3 =	sld [smem:$0x3FB1]  }
0x31: {  	[smem:$0x3FBA] =	sst s10  }
0x32: {  	s10 =	sld [smem:$0x3FB8];
	_ =	sdelay $0x3  }
0x33: {  	p0 =	seq.s32 s10, $0x1;
	s10 =	sld [smem:$0x3FBA];
	_ =	sdelay $0x3  }
0x34: {  	[smem:$0x3FBA] =	sst s10  }
0x35: {  	s10 =	sld [smem:$0x3FB9];
	_ =	sdelay $0x3  }
0x36: {  	p1 =	seq.s32 s10, $0x1;
	s10 =	sld [smem:$0x3FBA];
	_ =	sdelay $0x3  }
0x37: {  	[smem:$0x3FBA] =	sst s10  }
0x38: {  	s10 =	sld [smem:$0x3FBB]  }
0x39: {  	_ = 	snop;
	(pc) =	sbr.ind lr, $3  }
0x3a: {  	_ = 	snop  }
0x3b: {  	_ = 	snop  }
0x3c: {  	p2 =	seq.s32 s10, $0x1;
	s10 =	sld [smem:$0x3FBA]  }
0x3d: {  	_ =	shalt  }
0x3e: {  	_ =	shalt  }
0x3f: {  	_ =	shalt  }
0x40: {  	_ =	shalt  }
0x41: {  	_ =	shalt  }
0x42: {  	_ =	shalt  }
0x43: {  	_ =	shalt  }
0x44: {  	_ =	shalt  }
0x45: {  	_ =	shalt  }
0x46: {  	_ =	shalt  }
0x47: {  	_ =	shalt  }
0x48: {  	_ =	shalt  }
0x49: {  	_ =	shalt  }
0x4a: {  	_ =	shalt  }
0x4b: {  	_ =	shalt  }
0x4c: {  	_ =	shalt  }
0x4d: {  	_ =	shalt  }
0x4e: {  	_ =	shalt  }
0x4f: {  	_ =	shalt  }
0x50: {  	_ =	shalt  }
0x51: {  	_ =	shalt  }
0x52: {  	_ =	shalt  }
0x53: {  	_ =	shalt  }
0x54: {  	_ =	shalt  }
0x55: {  	_ =	shalt  }
0x56: {  	_ =	shalt  }
0x57: {  	_ =	shalt  }
0x58: {  	_ =	shalt  }
0x59: {  	_ =	shalt  }
0x5a: {  	_ =	shalt  }
0x5b: {  	_ =	shalt  }
0x5c: {  	_ =	shalt  }
0x5d: {  	_ =	shalt  }
0x5e: {  	_ =	shalt  }
0x5f: {  	_ =	shalt  }
0x60: {  	_ =	shalt  }
0x61: {  	_ =	shalt  }
0x62: {  	_ =	shalt  }
0x63: {  	_ =	shalt  }
0x64: {  	_ =	shalt  }
0x65: {  	_ =	shalt  }
0x66: {  	_ =	shalt  }
0x67: {  	_ =	shalt  }
0x68: {  	_ =	shalt  }
0x69: {  	_ =	shalt  }
0x6a: {  	_ =	shalt  }
0x6b: {  	_ =	shalt  }
0x6c: {  	_ =	shalt  }
0x6d: {  	_ =	shalt  }
0x6e: {  	_ =	shalt  }
0x6f: {  	_ =	shalt  }
0x70: {  	_ =	shalt  }
0x71: {  	_ =	shalt  }
0x72: {  	_ =	shalt  }
0x73: {  	_ =	shalt  }
0x74: {  	_ =	shalt  }
0x75: {  	_ =	shalt  }
0x76: {  	_ =	shalt  }
0x77: {  	_ =	shalt  }
0x78: {  	_ =	shalt  }
0x79: {  	_ =	shalt  }
0x7a: {  	_ =	shalt  }
0x7b: {  	_ =	shalt  }
0x7c: {  	_ =	shalt  }
0x7d: {  	_ =	shalt  }
0x7e: {  	_ =	shalt  }
0x7f: {  	_ =	shalt  }
0x80: {  	_ =	shalt  }
0x81: {  	_ =	shalt  }
0x82: {  	_ =	shalt  }
0x83: {  	_ =	shalt  }
0x84: {  	_ =	shalt  }
0x85: {  	_ =	shalt  }
0x86: {  	_ =	shalt  }
0x87: {  	_ =	shalt  }
.Lfunc_end0:
.L_simem_size_0:
called_computation_lowered:
.L_overlay_start_0:
0x88: {  	s2 =	sld [smem:$0x3FD9]  }
0x89: {  	s3 =	sld [smem:$0x3FFE];
	_ =	sdelay $0x1  }
0x8a: {  	s1 =	srdreg.scid  }
0x8b: {  	s0 =	sand.u32 $0x1, s1  }
0x8c: {  	s18 =	sshll.u32 s0, $0xA;
	s2 =	sadd.s32 s3, s2  }
0x8d: {  	s2 =	sadd.s32 s2, s18  }
0x8e: {  	[smem:$0x3FC6] =	sst s2  }
0x8f: {  	_ = 	snop  }
0x90: {  	s2 =	sld [smem:$0x3FC9]  }
0x91: {  	s19 =	sld [smem:$0x3FC8]  }
0x92: {  	s4 =	sld [smem:$0x3FD0];
	(tm) =	ssettm $0x1  }
0x93: {  	s5 =	sld [smem:$0x3FFB];
	_ =	sdelay $0x3  }
0x94: {  	_ =	strace s5  }
0x95: {  	s5 =	sld [smem:$0x3FFC];
	_ =	sdelay $0x3  }
0x96: {  	_ =	strace s5  }
0x97: {  	s5 =	sld [smem:$0x3FFD];
	_ =	sdelay $0x3  }
0x98: {  	_ =	strace s5  }
0x99: {  	_ =	strace $0x8FFFFFFF  }
0x9a: {  	s20 =	sld [smem:$0x3FDB];
	_ =	sdelay $0x1  }
0x9b: {  	s6 =	simm.s32 $_scs_section_size  }
0x9c: {  	s7 =	simm.s32 $_size__tile_overlayer_lowered;
	s8 =	simm.s32 $_tile_overlayer_lowered  }
0x9d: {  	s23 =	simm.s32 $0x1BFF;
	s22 =	sshll.u32 s8, $0x1;
	s5 =	sadd.s32 s6, s20  }
0x9e: {  	s9 =	simm.s32 $0x0;
	s21 =	sshll.u32 s7, $0x1;
	s7 =	sadd.s32 s22, s5  }
0x9f: {  	[timem:s9], [sflag:s23] =	dma.local [hbm:s7], s21  }
0xa0: {  	_ =	swait.ge [sflag:s23], s21  }
0xa1: {  	s6 =	ssub.s32 $0x0, s21;
	[sflag:s23] =	ssyncset.done $0x0  }
0xa2: {  	[sflag:s23] =	ssyncadd.s32 s6;
	_ =	sdelay $0x1  }
0xa3: {  	s24 =	simm.s32 $0x1B8B  }
0xa4: {  	_ =	swait.ge [sflag:s24], $0x1  }
0xa5: {  	[sflag:s24] =	ssyncset.done $0x0  }
0xa6: {  	s25 =	simm.s32 $0x1B8E;
	[sflag:s24] =	ssyncadd.s32 $0xFFFFFFFF  }
0xa7: {  	s26 =	simm.s32 $execute0_lowered;
	[smem:$0x3FD2] =	sst s25  }
0xa8: {  	s6 =	sshll.u32 s26, $0x1;
	_ =	strace $0x80000046;
	[dreg:$0x1] =	wrdreg $0xFFFFFFFF  }
0xa9: {  	s28 =	simm.s32 $_size_execute0_lowered;
	s5 =	sadd.s32 s5, s6;
	[dreg:$0x0] =	wrdreg $0x0  }
0xaa: {  	s6 =	sshll.u32 s28, $0x1;
	[dreg:$0x2] =	wrdreg s5  }
0xab: {  	[dreg:$0x3] =	wrdreg s6  }
0xac: {  	[dreg:$0x4] =	wrdreg $0xC0  }
0xad: {  	_ =	task [dreg:s9], $0x5FFFF  }
0xae: {  	[dreg:$0x1] =	wrdreg $0xFFFFFFFF  }
0xaf: {  	[dreg:$0x0] =	wrdreg $0x60  }
0xb0: {  	[dreg:$0x2] =	wrdreg s2  }
0xb1: {  	[dreg:$0x3] =	wrdreg s19  }
0xb2: {  	[dreg:$0x4] =	wrdreg s4  }
0xb3: {  	[dreg:$0x5] =	wrdreg $0x102000  }
0xb4: {  	[dreg:$0x6] =	wrdreg $0x9  }
0xb5: {  	_ =	task.clear_ibuf [dreg:s9], $0x7FFFF;
	_ =	strace $0x90000046  }
0xb6: {  	s29 =	simm.s32 $0x9;
	_ =	strace $0x80000048  }
0xb7: {  	_ =	swait.ge [sflag:s29], $0x1  }
0xb8: {  	[sflag:s29] =	ssyncadd.s32 $0xFFFFFFFF  }
0xb9: {  	_ =	strace $0x90000048  }
0xba: {  	_ =	sfence  }
0xbb: {  	s30 =	sld [smem:$0x0];
	_ =	sdelay $0x2  }
0xbc: {  	s31 =	sshll.u32 s1, $0xD;
	s1 =	sshrl.u32 s1, $0x2  }
0xbd: {  	s3 =	sand.u32 $0x4000, s31;
	s1 =	sadd.s32 s1, s30  }
0xbe: {  	s0 =	sor.u32 s3, s0;
	s1 =	sshll.u32 s1, $0x11  }
0xbf: {  	s0 =	sor.u32 s1, s0  }
0xc0: {  	s0 =	sadd.s32 $0x8F2B, s0  }
0xc1: {  	[sflag:s0] =	ssyncadd.remote.s32 $0x1  }
0xc2: {  	_ =	sfence.sel $0xFFFF  }
0xc3: {  	[dreg:$0x0] =	wrdreg $0xFFFFFFFF;
	(pc) =	sbr.abs _section_cstart, $3  }
0xc4: {  	[dreg:$0x1] =	wrdreg $0xFFFFFFFF  }
0xc5: {  	_ =	task.clear_ibuf [dreg:s9], $0x2FFFF;
	_ =	strace $0x9FFFFFFF  }
0xc6: {  	(tm) =	ssettm $0x7FFFFFFF  }
0xc7: {  	_ =	shalt  }
tec
execute0_lowered:
.L_overlay_start_1:
0x0: {  	(tag) =	ssettag $0x1  }
0x1: {  	s0 =	rddreg [dreg:$0x0]  }
0x2: {  	s9 =	rddreg [dreg:$0x1]  }
0x3: {  	s4 =	rddreg [dreg:$0x2]  }
0x4: {  	s1 =	srdreg.scid;
	s3 =	rddreg [dreg:$0x3];
	s2 =	simm.s32 $0x0  }
0x5: {  	s8 =	stileid.u32;
	[smem:$0x7FF] =	sst s2;
	s30 =	sadd.s32 $0x3C00, s9  }
0x6: {  	s16 =	simm.s32 $0x80;
	_ =	strace $0x80000047;
	[dreg:$0x7] =	wrdreg s30  }
0x7: {  	s17 =	simm.s32 $0x60;
	s18 =	simm.s32 $0xC0;
	[dreg:$0x11] =	wrdreg s16  }
0x8: {  	s19 =	simm.s32 $0x120;
	s1 =	sand.u32 $0x1, s1;
	[dreg:$0x12] =	wrdreg s17  }
0x9: {  	s5 =	sshll.u32 s8, $0xA;
	s6 =	sshll.u32 s1, $0x9;
	[dreg:$0x13] =	wrdreg s18  }
0xa: {  	s21 =	simm.s32 $0x190;
	[dreg:$0x14] =	wrdreg s19;
	s6 =	sor.u32 s6, s5  }
0xb: {  	s25 =	sadd.s32 s9, s5;
	[dreg:$0x15] =	wrdreg s21;
	s7 =	sshrl.u32 s6, $0x3  }
0xc: {  	[dreg:$0x6] =	wrdreg s25;
	s26 =	sshll.u32 s6, $0x4;
	s0 =	sadd.s32 s0, s7  }
0xd: {  	s6 =	sadd.s32 s4, s26;
	[dreg:$0x5] =	wrdreg s0  }
0xe: {  	s7 =	sadd.s32 $0x200, s6;
	[dreg:$0x16] =	wrdreg s6  }
0xf: {  	s10 =	sadd.s32 $0x400, s6;
	[dreg:$0x8] =	wrdreg s7  }
0x10: {  	s29 =	simm.s32 $0xF;
	s11 =	sadd.s32 $0x800, s6;
	[dreg:$0x9] =	wrdreg s10  }
0x11: {  	s23 =	simm.s32 $0x20;
	s13 =	sadd.s32 $0xC00, s6;
	[dreg:$0xa] =	wrdreg s11  }
0x12: {  	p0 =	seq.s32 s8, $0xF;
	s14 =	sadd.s32 $0x1200, s6;
	[dreg:$0xb] =	wrdreg s13  }
0x13: {  	s5 =	sadd.s32 $0x1E000, s3;
	s15 =	sadd.s32 $0x1900, s6;
	[dreg:$0xc] =	wrdreg s14  }
0x14: {  	s24 =	simm.s32 $0x200;
	s0 =	sshrl.u32 @p0 s5, $0x3;
	[dreg:$0xd] =	wrdreg s15  }
0x15: {  	s31 =	simm.s32 $0x40;
	s5 =	sshll.u32 @!p0 s8, $0x6;
	[dreg:$0x10] =	wrdreg s0  }
0x16: {  	s12 =	sshll.u32 s8, $0xD;
	s0 =	sor.u32 @!p0 $0x1C10, s5;
	s20 =	rddreg [dreg:$0x5]  }
0x17: {  	s28 =	simm.s32 $0x3;
	s4 =	sadd.s32 s12, s3;
	[dreg:$0xe] =	wrdreg s0  }
0x18: {  	s17 =	simm.s32 @p0 $0x10;
	s0 =	sshrl.u32 @!p0 s4, $0x3;
	s6 =	rddreg [dreg:$0x10]  }
0x19: {  	[tilespmem:s2], [sflag:$0xF] =	stream.linear.gather [hbm4b:s20+s2], $0x200, $0x38;
	[tilespmem:$0x12140] =	vst v63  }
0x1a: {  	s1 =	ssub.s32 $0x2, s1;
	s30 =	simm.s32 $0x2200;
	[dreg:$0xf] =	wrdreg s0  }
0x1b: {  	s18 =	simm.s32 $0x2200;
	s5 =	simm.s32 @p0 $0x1FD0;
	s0 =	rddreg [dreg:$0x7]  }
0x1c: {  	[spmem:s6], [sflag:s5] =	dma.local @p0 [hbm:s0], $0x280  }
0x1d: {  	s21 =	simm.s32 $0x7;
	s19 =	simm.s32 $0x8;
	_ =	swait.ge @p0 [sflag:s17], $0x280  }
0x1e: {  	s22 =	sshrl.u32 s1, $0x1;
	s25 =	simm.s32 $0x1200;
	s0 =	rddreg [dreg:$0xf]  }
0x1f: {  	s1 =	ssub.s32 s1, s22;
	s4 =	rddreg [dreg:$0x6];
	[sflag:s17] =	ssyncset.done @p0 $0x0  }
0x20: {  	s26 =	simm.s32 @!p0 $0x10;
	s6 =	rddreg [dreg:$0xe];
	[sflag:s17] =	ssyncadd.s32 @p0 $0xFFFFFD80  }
0x21: {  	[spmem:s0], [sflag:s6] =	dma.local @!p0 [hbm:s4], $0x400  }
0x22: {  	s12 =	simm.s32 $0xB;
	s14 =	simm.s32 $0x200;
	_ =	swait.ge @!p0 [sflag:s26], $0x400  }
0x23: {  	s11 =	simm.s32 $0x1200;
	s15 =	simm.s32 $0x9;
	[sflag:s26] =	ssyncset.done @!p0 $0x0  }
0x24: {  	s13 =	simm.s32 $0xA;
	s10 =	simm.s32 $0xC;
	[sflag:s26] =	ssyncadd.s32 @!p0 $0xFFFFFC00  }
0x25: {  	s7 =	simm.s32 $0xE;
	s5 =	smax.u32 s1, $0x1;
	_ =	swait.ge [sflag:s29], $0x200  }
0x26: {  	s1 =	simm.s32 $0x2;
	s16 =	sadd.s32 $0xFFFFFFFF, s5;
	[sflag:s29] =	ssyncset.done $0x0  }
0x27: {  	p1 =	sne.s32 s16, $0x0;
	s0 =	simm.s32 $0x70;
	[sflag:s29] =	ssyncadd.s32 $0xFFFFFE00  }
0x28: {  	[tilespmem:s24], [sflag:$0x1] =	stream.indirect.gather [hbm4b:s9+s23], $0x80, s2, s23, $0xb8;
	[tilespmem:$0x12140] =	vst v63  }
.Ltmp0:
0x29: {  	s4 =	simm.s32 $0x1;
	[bflag:$0x0] =	sbarrier.arrive $0xFFFF;
	(pc) =	sbr.rel @!p1 .LBB2_3-.Ltmp0, $4  }
0x2a: {  	[tilespmem:s25], [sflag:$0x2] =	stream.indirect.gather [spmem:s3], $0x80, s23, s23, $0xb8;
	[tilespmem:$0x12140] =	vst v63  }
0x2b: {  	s24 =	simm.s32 $0x5;
	s9 =	simm.s32 $0xD;
	s5 =	rddreg [dreg:$0x11]  }
0x2c: {  	s25 =	simm.s32 $0x4;
	s23 =	simm.s32 $0x6;
	s6 =	rddreg [dreg:$0x12]  }
0x2d: {  	[tilespmem:s30], [sflag:$0x3] =	stream.indirect.gather [spmem:s3], $0x80, s31, s31, $0xb8;
	[tilespmem:$0x12140] =	vst v63  }
0x2e: {  	s30 =	simm.s32 $0x200;
	s22 =	simm.s32 $0x1200;
	s20 =	simm.s32 $0x2200  }
.LBB2_2:
0x2f: {  	s18 =	simm.s32 $0x4200  }
0x30: {  	[tilespmem:s18], [sflag:$0x4] =	stream.indirect.gather [spmem:s3], $0x80, s5, s31, $0xb8;
	[tilespmem:$0x12140] =	vst v63  }
0x31: {  	s8 =	rddreg [dreg:$0x13];
	s14 =	simm.s32 $0x6200  }
0x32: {  	[tilespmem:s14], [sflag:$0x5] =	stream.indirect.gather [spmem:s3], $0x80, s8, s6, $0xb8;
	[tilespmem:$0x12140] =	vst v63  }
0x33: {  	s11 =	simm.s32 $0x9200;
	s5 =	rddreg [dreg:$0x14]  }
0x34: {  	[tilespmem:s11], [sflag:$0x6] =	stream.indirect.gather [spmem:s3], $0x80, s5, s0, $0xb8;
	[tilespmem:$0x12140] =	vst v63  }
0x35: {  	s6 =	rddreg [dreg:$0x15];
	s8 =	simm.s32 $0xCA00  }
0x36: {  	[tilespmem:s8], [sflag:$0x7] =	stream.indirect.gather [spmem:s3], $0x80, s6, s0, $0xb8;
	[tilespmem:$0x12140] =	vst v63  }
0x37: {  	_ =	swait.ge [sflag:s4], $0x1000  }
0x38: {  	[sflag:s4] =	ssyncset.done $0x0  }
0x39: {  	s6 =	rddreg [dreg:$0x16];
	[sflag:s4] =	ssyncadd.s32 $0xFFFFF000  }
0x3a: {  	[hbm4b:s6+s2] =	stream.linear.scatter [tilespmem:s30], [sflag:$0x8], $0x1000, $0x38;
	[tilespmem:$0x12140] =	vst v63  }
0x3b: {  	_ =	swait.ge [sflag:s1], $0x1000  }
0x3c: {  	[sflag:s1] =	ssyncset.done $0x0  }
0x3d: {  	s6 =	rddreg [dreg:$0x8];
	[sflag:s1] =	ssyncadd.s32 $0xFFFFF000  }
0x3e: {  	[hbm4b:s6+s2] =	stream.linear.scatter [tilespmem:s22], [sflag:$0x9], $0x1000, $0x38;
	[tilespmem:$0x12140] =	vst v63  }
0x3f: {  	_ =	swait.ge [sflag:s28], $0x2000  }
0x40: {  	[sflag:s28] =	ssyncset.done $0x0  }
0x41: {  	s6 =	rddreg [dreg:$0x9];
	[sflag:s28] =	ssyncadd.s32 $0xFFFFE000  }
0x42: {  	[hbm4b:s6+s2] =	stream.linear.scatter [tilespmem:s20], [sflag:$0xA], $0x2000, $0x38;
	[tilespmem:$0x12140] =	vst v63  }
0x43: {  	_ =	swait.ge [sflag:s25], $0x2000  }
0x44: {  	[sflag:s25] =	ssyncset.done $0x0  }
0x45: {  	s6 =	rddreg [dreg:$0xa];
	[sflag:s25] =	ssyncadd.s32 $0xFFFFE000  }
0x46: {  	[hbm4b:s6+s2] =	stream.linear.scatter [tilespmem:s18], [sflag:$0xB], $0x2000, $0x38;
	[tilespmem:$0x12140] =	vst v63  }
0x47: {  	_ =	swait.ge [sflag:s24], $0x3000  }
0x48: {  	[sflag:s24] =	ssyncset.done $0x0  }
0x49: {  	s18 =	rddreg [dreg:$0xb];
	[sflag:s24] =	ssyncadd.s32 $0xFFFFD000  }
0x4a: {  	[hbm4b:s18+s2] =	stream.linear.scatter [tilespmem:s14], [sflag:$0xC], $0x3000, $0x38;
	[tilespmem:$0x12140] =	vst v63  }
0x4b: {  	_ =	swait.ge [sflag:s23], $0x3800  }
0x4c: {  	[sflag:s23] =	ssyncset.done $0x0  }
0x4d: {  	s6 =	rddreg [dreg:$0xc];
	[sflag:s23] =	ssyncadd.s32 $0xFFFFC800  }
0x4e: {  	[hbm4b:s6+s2] =	stream.linear.scatter [tilespmem:s11], [sflag:$0xD], $0x3800, $0x38;
	[tilespmem:$0x12140] =	vst v63  }
0x4f: {  	_ =	swait.ge [sflag:s21], $0x3800  }
0x50: {  	[sflag:s21] =	ssyncset.done $0x0  }
0x51: {  	s14 =	rddreg [dreg:$0xd];
	[sflag:s21] =	ssyncadd.s32 $0xFFFFC800  }
0x52: {  	[hbm4b:s14+s2] =	stream.linear.scatter [tilespmem:s8], [sflag:$0xE], $0x3800, $0x38;
	[tilespmem:$0x12140] =	vst v63  }
0x53: {  	_ =	swait.ge [sflag:s19], $0x1000  }
0x54: {  	[sflag:s19] =	ssyncset.done $0x0  }
0x55: {  	[sflag:s19] =	ssyncadd.s32 $0xFFFFF000  }
0x56: {  	_ =	swait.ge [sflag:s15], $0x1000  }
0x57: {  	[sflag:s15] =	ssyncset.done $0x0  }
0x58: {  	[sflag:s15] =	ssyncadd.s32 $0xFFFFF000  }
0x59: {  	_ =	swait.ge [sflag:s13], $0x2000  }
0x5a: {  	[sflag:s13] =	ssyncset.done $0x0  }
0x5b: {  	[sflag:s13] =	ssyncadd.s32 $0xFFFFE000  }
0x5c: {  	_ =	swait.ge [sflag:s12], $0x2000  }
0x5d: {  	[sflag:s12] =	ssyncset.done $0x0  }
0x5e: {  	[sflag:s12] =	ssyncadd.s32 $0xFFFFE000  }
0x5f: {  	_ =	swait.ge [sflag:s10], $0x3000  }
0x60: {  	[sflag:s10] =	ssyncset.done $0x0  }
0x61: {  	[sflag:s10] =	ssyncadd.s32 $0xFFFFD000  }
0x62: {  	_ =	swait.ge [sflag:s9], $0x3800  }
0x63: {  	[sflag:s9] =	ssyncset.done $0x0  }
0x64: {  	[sflag:s9] =	ssyncadd.s32 $0xFFFFC800  }
0x65: {  	_ =	swait.ge [sflag:s7], $0x3800  }
0x66: {  	s5 =	rddreg [dreg:$0x7]  }
0x67: {  	[sflag:s7] =	ssyncset.done $0x0;
	s18 =	rddreg [dreg:$0x5]  }
0x68: {  	s6 =	simm.s32 @p0 $0x1FD0;
	s8 =	rddreg [dreg:$0x10];
	[sflag:s7] =	ssyncadd.s32 $0xFFFFC800  }
0x69: {  	[tilespmem:s2], [sflag:$0xF] =	stream.linear.gather [hbm4b:s18+s2], $0x200, $0x38;
	[tilespmem:$0x12140] =	vst v63  }
0x6a: {  	[spmem:s8], [sflag:s6] =	dma.local @p0 [hbm:s5], $0x280  }
0x6b: {  	_ =	swait.ge @p0 [sflag:s17], $0x280  }
0x6c: {  	s5 =	rddreg [dreg:$0xf]  }
0x6d: {  	[sflag:s17] =	ssyncset.done @p0 $0x0;
	s6 =	rddreg [dreg:$0x6]  }
0x6e: {  	s8 =	rddreg [dreg:$0xe];
	[sflag:s17] =	ssyncadd.s32 @p0 $0xFFFFFD80  }
0x6f: {  	[spmem:s5], [sflag:s8] =	dma.local @!p0 [hbm:s6], $0x400  }
0x70: {  	_ =	swait.ge @!p0 [sflag:s26], $0x400  }
0x71: {  	[sflag:s26] =	ssyncset.done @!p0 $0x0  }
0x72: {  	[sflag:s26] =	ssyncadd.s32 @!p0 $0xFFFFFC00  }
0x73: {  	_ =	swait.ge [sflag:s29], $0x200  }
0x74: {  	[sflag:s29] =	ssyncset.done $0x0  }
0x75: {  	s16 =	sadd.s32 $0xFFFFFFFF, s16;
	[sflag:s29] =	ssyncadd.s32 $0xFFFFFE00  }
0x76: {  	p1 =	sne.s32 s16, $0x0;
	s18 =	simm.s32 $0x20;
	s11 =	rddreg [dreg:$0x1]  }
0x77: {  	[tilespmem:s30], [sflag:$0x1] =	stream.indirect.gather [hbm4b:s11+s18], $0x80, s2, s18, $0xb8;
	[tilespmem:$0x12140] =	vst v63  }
.Ltmp1:
0x78: {  	[bflag:$0x0] =	sbarrier.arrive $0xFFFF;
	(pc) =	sbr.rel @p1 .LBB2_2-.Ltmp1, $4  }
0x79: {  	[tilespmem:s22], [sflag:$0x2] =	stream.indirect.gather [spmem:s3], $0x80, s18, s18, $0xb8;
	[tilespmem:$0x12140] =	vst v63  }
0x7a: {  	s14 =	simm.s32 $0x200;
	s5 =	rddreg [dreg:$0x11]  }
0x7b: {  	s11 =	simm.s32 $0x1200;
	s18 =	simm.s32 $0x2200;
	s6 =	rddreg [dreg:$0x12]  }
0x7c: {  	[tilespmem:s20], [sflag:$0x3] =	stream.indirect.gather [spmem:s3], $0x80, s31, s31, $0xb8;
	[tilespmem:$0x12140] =	vst v63  }
.LBB2_3:
0x7d: {  	s17 =	simm.s32 $0x4200  }
0x7e: {  	[tilespmem:s17], [sflag:$0x4] =	stream.indirect.gather [spmem:s3], $0x80, s5, s31, $0xb8;
	[tilespmem:$0x12140] =	vst v63  }
0x7f: {  	s8 =	rddreg [dreg:$0x13];
	s16 =	simm.s32 $0x6200  }
0x80: {  	[tilespmem:s16], [sflag:$0x5] =	stream.indirect.gather [spmem:s3], $0x80, s8, s6, $0xb8;
	[tilespmem:$0x12140] =	vst v63  }
0x81: {  	s26 =	rddreg [dreg:$0x14];
	s30 =	simm.s32 $0x9200  }
0x82: {  	[tilespmem:s30], [sflag:$0x6] =	stream.indirect.gather [spmem:s3], $0x80, s26, s0, $0xb8;
	[tilespmem:$0x12140] =	vst v63  }
0x83: {  	s29 =	rddreg [dreg:$0x15];
	s31 =	simm.s32 $0xCA00  }
0x84: {  	[tilespmem:s31], [sflag:$0x7] =	stream.indirect.gather [spmem:s3], $0x80, s29, s0, $0xb8;
	[tilespmem:$0x12140] =	vst v63  }
0x85: {  	_ =	swait.ge [sflag:s4], $0x1000  }
0x86: {  	[sflag:s4] =	ssyncset.done $0x0  }
0x87: {  	s6 =	rddreg [dreg:$0x16];
	[sflag:s4] =	ssyncadd.s32 $0xFFFFF000  }
0x88: {  	[hbm4b:s6+s2] =	stream.linear.scatter [tilespmem:s14], [sflag:$0x8], $0x1000, $0x38;
	[tilespmem:$0x12140] =	vst v63  }
0x89: {  	_ =	swait.ge [sflag:s1], $0x1000  }
0x8a: {  	[sflag:s1] =	ssyncset.done $0x0  }
0x8b: {  	s20 =	rddreg [dreg:$0x8];
	[sflag:s1] =	ssyncadd.s32 $0xFFFFF000  }
0x8c: {  	[hbm4b:s20+s2] =	stream.linear.scatter [tilespmem:s11], [sflag:$0x9], $0x1000, $0x38;
	[tilespmem:$0x12140] =	vst v63  }
0x8d: {  	_ =	swait.ge [sflag:s28], $0x2000  }
0x8e: {  	[sflag:s28] =	ssyncset.done $0x0  }
0x8f: {  	s22 =	rddreg [dreg:$0x9];
	[sflag:s28] =	ssyncadd.s32 $0xFFFFE000  }
0x90: {  	[hbm4b:s22+s2] =	stream.linear.scatter [tilespmem:s18], [sflag:$0xA], $0x2000, $0x38;
	[tilespmem:$0x12140] =	vst v63  }
0x91: {  	_ =	swait.ge [sflag:s25], $0x2000  }
0x92: {  	[sflag:s25] =	ssyncset.done $0x0  }
0x93: {  	s26 =	rddreg [dreg:$0xa];
	[sflag:s25] =	ssyncadd.s32 $0xFFFFE000  }
0x94: {  	[hbm4b:s26+s2] =	stream.linear.scatter [tilespmem:s17], [sflag:$0xB], $0x2000, $0x38;
	[tilespmem:$0x12140] =	vst v63  }
0x95: {  	_ =	swait.ge [sflag:s24], $0x3000  }
0x96: {  	[sflag:s24] =	ssyncset.done $0x0  }
0x97: {  	s28 =	rddreg [dreg:$0xb];
	[sflag:s24] =	ssyncadd.s32 $0xFFFFD000  }
0x98: {  	[hbm4b:s28+s2] =	stream.linear.scatter [tilespmem:s16], [sflag:$0xC], $0x3000, $0x38;
	[tilespmem:$0x12140] =	vst v63  }
0x99: {  	_ =	swait.ge [sflag:s23], $0x3800  }
0x9a: {  	[sflag:s23] =	ssyncset.done $0x0  }
0x9b: {  	s29 =	rddreg [dreg:$0xc];
	[sflag:s23] =	ssyncadd.s32 $0xFFFFC800  }
0x9c: {  	[hbm4b:s29+s2] =	stream.linear.scatter [tilespmem:s30], [sflag:$0xD], $0x3800, $0x38;
	[tilespmem:$0x12140] =	vst v63  }
0x9d: {  	_ =	swait.ge [sflag:s21], $0x3800  }
0x9e: {  	[sflag:s21] =	ssyncset.done $0x0  }
0x9f: {  	s30 =	rddreg [dreg:$0xd];
	[sflag:s21] =	ssyncadd.s32 $0xFFFFC800  }
0xa0: {  	[hbm4b:s30+s2] =	stream.linear.scatter [tilespmem:s31], [sflag:$0xE], $0x3800, $0x38;
	[tilespmem:$0x12140] =	vst v63  }
0xa1: {  	_ =	swait.ge [sflag:s19], $0x1000  }
0xa2: {  	[sflag:s19] =	ssyncset.done $0x0  }
0xa3: {  	[sflag:s19] =	ssyncadd.s32 $0xFFFFF000  }
0xa4: {  	_ =	swait.ge [sflag:s15], $0x1000  }
0xa5: {  	[sflag:s15] =	ssyncset.done $0x0  }
0xa6: {  	[sflag:s15] =	ssyncadd.s32 $0xFFFFF000  }
0xa7: {  	_ =	swait.ge [sflag:s13], $0x2000  }
0xa8: {  	[sflag:s13] =	ssyncset.done $0x0  }
0xa9: {  	[sflag:s13] =	ssyncadd.s32 $0xFFFFE000  }
0xaa: {  	_ =	swait.ge [sflag:s12], $0x2000  }
0xab: {  	[sflag:s12] =	ssyncset.done $0x0  }
0xac: {  	[sflag:s12] =	ssyncadd.s32 $0xFFFFE000  }
0xad: {  	_ =	swait.ge [sflag:s10], $0x3000  }
0xae: {  	[sflag:s10] =	ssyncset.done $0x0  }
0xaf: {  	[sflag:s10] =	ssyncadd.s32 $0xFFFFD000  }
0xb0: {  	_ =	swait.ge [sflag:s9], $0x3800  }
0xb1: {  	[sflag:s9] =	ssyncset.done $0x0  }
0xb2: {  	[sflag:s9] =	ssyncadd.s32 $0xFFFFC800  }
0xb3: {  	_ =	swait.ge [sflag:s7], $0x3800  }
0xb4: {  	[sflag:s7] =	ssyncset.done $0x0  }
0xb5: {  	[sflag:s7] =	ssyncadd.s32 $0xFFFFC800  }
0xb6: {  	_ =	sfence.sel $0x180000  }
0xb7: {  	[bflag:$0x0] =	sbarrier.arrive $0xFFFF  }
0xb8: {  	_ =	strace $0x90000047  }
0xb9: {  	s31 =	stileid.u32;
	[bflag:$0x2] =	sbarrier.arrive $0xFFFF  }
0xba: {  	p0 =	sne.s32 s31, $0x0;
	s0 =	rddreg [dreg:$0x4]  }
0xbb: {  	s0 =	sadd.s32 @!p0 $0x100000, s0  }
0xbc: {  	[sflag:s0] =	ssyncadd.tile.s32 @!p0 $0x1;
	_ =	shalt  }
.Lfunc_end2:
_tile_overlayer_lowered:
.L_overlay_start_2:
0xbd: {  	(tag) =	ssettag $0x2  }
0xbe: {  	s0 =	rddreg [dreg:$0x0];
	s2 =	stileid.u32  }
0xbf: {  	s1 =	rddreg [dreg:$0x1];
	p0 =	sne.s32 s2, $0x0  }
0xc0: {  	s3 =	rddreg [dreg:$0x2];
	[bflag:$0x3] =	sbarrier.arrive $0xFFFF;
	s2 =	simm.s32 @!p0 $0x1C10  }
0xc1: {  	[timem:s3], [sflag:s2] =	dma.local @!p0 [hbm:s0], s1  }
0xc2: {  	s0 =	simm.s32 @!p0 $0x10  }
0xc3: {  	_ =	swait.ge @!p0 [sflag:s0], s1  }
0xc4: {  	s1 =	ssub.s32 @!p0 $0x0, s1;
	[sflag:s0] =	ssyncset.done @!p0 $0x0  }
0xc5: {  	[sflag:s0] =	ssyncadd.s32 @!p0 s1  }
0xc6: {  	[bflag:$0x3] =	sbarrier.arrive $0xFFFF  }
0xc7: {  	_ =	shalt  }

</sc_bundles>
